<compile_context>
chip_gen: v7x
topology: tpu7x:2x2x1
jax: 0.10.2.dev20260603
libtpu: 0.0.44.dev20260713+nightly
codegen_flags: <defaults>
</compile_context>

<pallas_src>
import functools
import math

import jax
import jax.numpy as jnp
from jax.experimental import pallas as pl
from jax.experimental.pallas import tpu as pltpu
from jax.experimental.pallas import tpu_sc as plsc

_D = 128
_SCALE = math.sqrt(float(_D))
_BW = 8


def _scale_block(t_ref, o_ref):
    o_ref[...] = t_ref[...] * _SCALE


def _scaled_table(table):
    rows, d = table.shape
    blk = 1000
    return pl.pallas_call(
        _scale_block,
        out_shape=jax.ShapeDtypeStruct(table.shape, table.dtype),
        grid=(rows // blk,),
        in_specs=[pl.BlockSpec((blk, d), lambda i: (i, 0))],
        out_specs=pl.BlockSpec((blk, d), lambda i: (i, 0)),
        compiler_params=pltpu.CompilerParams(
            dimension_semantics=("parallel",),
        ),
    )(table)


def _sc_gather(table_scaled, idx, batch, seq):
    mesh = plsc.VectorSubcoreMesh(core_axis_name="c", subcore_axis_name="s")

    @functools.partial(
        pl.kernel,
        out_type=jax.ShapeDtypeStruct((batch, seq, _D), jnp.float32),
        mesh=mesh,
        scratch_types=[pltpu.SemaphoreType.DMA],
    )
    def k(t_hbm, i_hbm, o_hbm, sem):
        def body(i_vmem, o_vmem):
            copies = [
                pltpu.async_copy(t_hbm.at[i_vmem.at[j]], o_vmem.at[j], sem)
                for j in range(_BW)
            ]
            for c in copies:
                c.wait()

        pltpu.emit_pipeline(
            body,
            grid=(batch // _BW,),
            in_specs=[pl.BlockSpec((_BW, seq), index_map=lambda i: (i, 0))],
            out_specs=[pl.BlockSpec((_BW, seq, _D), index_map=lambda i: (i, 0, 0))],
            core_axis_name=("c", "s"),
            dimension_semantics=(pltpu.PARALLEL,),
        )(i_hbm, o_hbm)

    return k(table_scaled, idx)


def kernel(inputs, table):
    batch, seq = inputs.shape
    idx = inputs.astype(jnp.int32)
    ts = _scaled_table(table)
    return _sc_gather(ts, idx, batch, seq)

# --- scband reference (transcript-rebuilt; emitter-appended) ---
"""Pipeline reference for scband-embedding-layer-27659589386280 (READ-ONLY COPY).

The authoritative reference and input builder live on the scoring server;
editing this copy changes nothing except your own understanding.
"""

import jax, jax.numpy as jnp
import numpy as np

NUM_EMBEDDINGS = 100000
EMBEDDING_DIM = 128
PADDING_IDX = 0

def setup_inputs(seed: int = 0) -> dict:
    key = jax.random.key(seed)
    k1, k2 = jax.random.split(key)
    table = jax.random.normal(k1, (NUM_EMBEDDINGS, EMBEDDING_DIM), dtype=jnp.float32)
    # nn.Embedding with padding_idx zeroes that row at init
    table = table.at[PADDING_IDX].set(0.0)
    inputs = jax.random.randint(k2, (4096, 50), 0, NUM_EMBEDDINGS, dtype=jnp.int64) if jax.config.jax_enable_x64 else jax.random.randint(k2, (4096, 50), 0, NUM_EMBEDDINGS, dtype=jnp.int32)
    return {"inputs": inputs, "table": table}

def reference(inputs, table):
    # layer_mode == 'embedding': gather + scale by sqrt(embedding_dim)
    out = jnp.take(table, inputs, axis=0)
    out = out * jnp.sqrt(jnp.asarray(EMBEDDING_DIM, dtype=jnp.float32))
    return out

if __name__ == "__main__":
    import jax
    _d = setup_inputs()
    print(jax.jit(kernel)(*tuple(_d.values())))

</pallas_src>

<mosaic_0001>
#map = affine_map<(d0, d1) -> (0, 0)>
#map1 = affine_map<(d0, d1) -> (0, 0, 0)>
module attributes {stable_mosaic.version = 14 : i64} {
  func.func @k(%arg0: i32, %arg1: i32, %arg2: memref<100000x128xf32, #tpu.memory_space<hbm>>, %arg3: memref<4096x50xi32, #tpu.memory_space<hbm>>, %arg4: memref<4096x50x128xf32, #tpu.memory_space<hbm>>, %arg5: memref<!tpu.dma_semaphore, #tpu.memory_space<semaphore_mem>>) attributes {dimension_semantics = [#tpu.dimension_semantics<core_parallel>, #tpu.dimension_semantics<subcore_parallel>], iteration_bounds = array<i64: 2, 16>, scalar_prefetch = 0 : i64, scratch_operands = 1 : i64, tpu.core_type = #tpu.core_type<sc_vector_subcore>, window_params = [{transform_indices = #map}, {transform_indices = #map}, {transform_indices = #map1}]} {
    %mul3A = arith.constant 1 : i32
    %mul3A_0 = arith.muli %arg1, %mul3A : i32
    %add3A = arith.constant 0 : i32
    %add3A_1 = arith.addi %add3A, %mul3A_0 : i32
    %mul3A_2 = arith.constant 16 : i32
    %mul3A_3 = arith.muli %arg0, %mul3A_2 : i32
    %add3A_4 = arith.addi %add3A_1, %mul3A_3 : i32
    %mul3A_5 = arith.constant 16 : i32
    %mul3A_6 = arith.muli %add3A_4, %mul3A_5 : i32
    "tpu.region"() ({
      %run_scoped3A = memref.alloca() : memref<2x8x50xi32, #tpu.memory_space<vmem>>
      %run_scoped3A_7 = tpu.sem_alloc : memref<2x!tpu.dma_semaphore, #tpu.memory_space<semaphore_mem>>
      %run_scoped3A_8 = memref.alloca() : memref<2x8x50x128xf32, #tpu.memory_space<vmem>>
      %run_scoped3A_9 = tpu.sem_alloc : memref<2x!tpu.dma_semaphore, #tpu.memory_space<semaphore_mem>>
      %add3A_10 = arith.constant 0 : i32
      %add3A_11 = arith.addi %add3A_10, %mul3A_6 : i32
      %select_n3A = arith.constant true
      %select_n3A_12 = arith.constant 0 : i32
      %select_n3A_13 = arith.constant -1 : i32
      %select_n3A_14 = arith.select %select_n3A, %select_n3A_13, %select_n3A_12 : i32
      %eq3A = arith.constant -1 : i32
      %eq3A_15 = arith.cmpi eq, %select_n3A_14, %eq3A : i32
      %select_n3A_16 = arith.constant 15 : i32
      %select_n3A_17 = arith.select %eq3A_15, %select_n3A_16, %select_n3A_14 : i32
      %add3A_18 = arith.addi %select_n3A_17, %mul3A_6 : i32
      %select_n3A_19 = arith.constant true
      %select_n3A_20 = arith.constant 0 : i32
      %select_n3A_21 = arith.constant 1 : i32
      %select_n3A_22 = arith.select %select_n3A_19, %select_n3A_21, %select_n3A_20 : i32
      %eq3A_23 = arith.constant 16 : i32
      %eq3A_24 = arith.cmpi eq, %select_n3A_22, %eq3A_23 : i32
      %select_n3A_25 = arith.constant 0 : i32
      %select_n3A_26 = arith.select %eq3A_24, %select_n3A_25, %select_n3A_22 : i32
      %add3A_27 = arith.addi %select_n3A_26, %mul3A_6 : i32
      %add3A_28 = arith.constant 1 : i32
      %add3A_29 = arith.addi %select_n3A_26, %add3A_28 : i32
      %select_n3A_30 = arith.constant true
      %select_n3A_31 = arith.select %select_n3A_30, %add3A_29, %select_n3A_26 : i32
      %eq3A_32 = arith.constant 16 : i32
      %eq3A_33 = arith.cmpi eq, %select_n3A_31, %eq3A_32 : i32
      %select_n3A_34 = arith.constant 0 : i32
      %select_n3A_35 = arith.select %eq3A_33, %select_n3A_34, %select_n3A_31 : i32
      %add3A_36 = arith.addi %select_n3A_35, %mul3A_6 : i32
      "tpu.trace_start"() <{level = 10 : i32, message = "ep_initialize_0"}> : () -> ()
      %rem3A = arith.constant 0 : i32
      %rem3A_37 = arith.constant 2 : i32
      %rem3A_38 = arith.remui %rem3A, %rem3A_37 : i32
      %mul3A_39 = arith.constant 8 : i32
      %mul3A_40 = arith.muli %mul3A_39, %add3A_11 : i32
      %dma_start3A = arith.constant 0 : i32
      %dma_start3A_41 = arith.constant 0 : i32
      %dma_start3A_42 = tpu.memref_slice %run_scoped3A[%rem3A_38, %dma_start3A, %dma_start3A_41] : memref<2x8x50xi32, #tpu.memory_space<vmem>> -> memref<1x8x50xi32, #tpu.memory_space<vmem>>
      %dma_start3A_43 = tpu.memref_squeeze %dma_start3A_42 : memref<1x8x50xi32, #tpu.memory_space<vmem>> -> memref<8x50xi32, #tpu.memory_space<vmem>>
      %dma_start3A_44 = arith.constant 0 : i32
      %dma_start3A_45 = tpu.memref_slice %arg3[%mul3A_40, %dma_start3A_44] : memref<4096x50xi32, #tpu.memory_space<hbm>> -> memref<8x50xi32, #tpu.memory_space<hbm>>
      %dma_start3A_46 = tpu.memref_slice %run_scoped3A_7[%rem3A_38] : memref<2x!tpu.dma_semaphore, #tpu.memory_space<semaphore_mem>> -> memref<1x!tpu.dma_semaphore, #tpu.memory_space<semaphore_mem>>
      %dma_start3A_47 = tpu.memref_squeeze %dma_start3A_46 : memref<1x!tpu.dma_semaphore, #tpu.memory_space<semaphore_mem>> -> memref<!tpu.dma_semaphore, #tpu.memory_space<semaphore_mem>>
      %dma_start3A_48 = arith.constant 0 : i32
      %dma_start3A_49 = arith.constant 0 : i32
      %dma_start3A_50 = tpu.memref_slice %run_scoped3A[%rem3A_38, %dma_start3A_48, %dma_start3A_49] : memref<2x8x50xi32, #tpu.memory_space<vmem>> -> memref<1x8x50xi32, #tpu.memory_space<vmem>>
      %dma_start3A_51 = tpu.memref_squeeze %dma_start3A_50 : memref<1x8x50xi32, #tpu.memory_space<vmem>> -> memref<8x50xi32, #tpu.memory_space<vmem>>
      %dma_start3A_52 = arith.constant 0 : i32
      %dma_start3A_53 = tpu.memref_slice %arg3[%mul3A_40, %dma_start3A_52] : memref<4096x50xi32, #tpu.memory_space<hbm>> -> memref<8x50xi32, #tpu.memory_space<hbm>>
      tpu.enqueue_dma source(%dma_start3A_53 : memref<8x50xi32, #tpu.memory_space<hbm>>) target(%dma_start3A_51 : memref<8x50xi32, #tpu.memory_space<vmem>>) target_semaphore(%dma_start3A_47 : memref<!tpu.dma_semaphore, #tpu.memory_space<semaphore_mem>>)
      %add3A_54 = arith.constant 0 : i32
      %add3A_55 = arith.constant 1 : i32
      %add3A_56 = arith.addi %add3A_54, %add3A_55 : i32
      %select_n3A_57 = arith.constant true
      %select_n3A_58 = arith.constant 0 : i32
      %select_n3A_59 = arith.select %select_n3A_57, %add3A_56, %select_n3A_58 : i32
      "tpu.trace_stop"() : () -> ()
      %scan3A = arith.constant 0 : i32
      %scan3A_60 = arith.constant 0 : i32
      %scan3A_61 = arith.constant 0 : i32
      %scan3A_62 = arith.constant 0 : i32
      %scan3A_63 = arith.constant 0 : i32
      %scan3A_64 = arith.constant 16 : i32
      %scan3A_65 = arith.addi %scan3A_63, %scan3A_64 : i32
      %scan3A_66 = arith.constant 1 : i32
      %scan3A_67:5 = scf.for %scan3A_125 = %scan3A_63 to %scan3A_65 step %scan3A_66 iter_args(%scan3A_126 = %select_n3A_59, %scan3A_127 = %scan3A, %scan3A_128 = %scan3A_60, %scan3A_129 = %scan3A_61, %scan3A_130 = %scan3A_62) -> (i32, i32, i32, i32, i32)  : i32 {
        %eq3A_131 = arith.constant 0 : i32
        %eq3A_132 = arith.cmpi eq, %scan3A_125, %eq3A_131 : i32
        %eq3A_133 = arith.constant 15 : i32
        %eq3A_134 = arith.cmpi eq, %scan3A_125, %eq3A_133 : i32
        %add3A_135 = arith.addi %scan3A_130, %mul3A_6 : i32
        %sub3A_136 = arith.constant 1 : i32
        %sub3A_137 = arith.subi %scan3A_130, %sub3A_136 : i32
        %select_n3A_138 = arith.constant true
        %select_n3A_139 = arith.select %select_n3A_138, %sub3A_137, %scan3A_130 : i32
        %eq3A_140 = arith.constant -1 : i32
        %eq3A_141 = arith.cmpi eq, %select_n3A_139, %eq3A_140 : i32
        %select_n3A_142 = arith.constant 15 : i32
        %select_n3A_143 = arith.select %eq3A_141, %select_n3A_142, %select_n3A_139 : i32
        %add3A_144 = arith.addi %select_n3A_143, %mul3A_6 : i32
        %add3A_145 = arith.constant 1 : i32
        %add3A_146 = arith.addi %scan3A_130, %add3A_145 : i32
        %select_n3A_147 = arith.constant true
        %select_n3A_148 = arith.select %select_n3A_147, %add3A_146, %scan3A_130 : i32
        %eq3A_149 = arith.constant 16 : i32
        %eq3A_150 = arith.cmpi eq, %select_n3A_148, %eq3A_149 : i32
        %select_n3A_151 = arith.constant 0 : i32
        %select_n3A_152 = arith.select %eq3A_150, %select_n3A_151, %select_n3A_148 : i32
        %add3A_153 = arith.addi %select_n3A_152, %mul3A_6 : i32
        %add3A_154 = arith.constant 1 : i32
        %add3A_155 = arith.addi %select_n3A_152, %add3A_154 : i32
        %select_n3A_156 = arith.constant true
        %select_n3A_157 = arith.select %select_n3A_156, %add3A_155, %select_n3A_152 : i32
        %eq3A_158 = arith.constant 16 : i32
        %eq3A_159 = arith.cmpi eq, %select_n3A_157, %eq3A_158 : i32
        %select_n3A_160 = arith.constant 0 : i32
        %select_n3A_161 = arith.select %eq3A_159, %select_n3A_160, %select_n3A_157 : i32
        %add3A_162 = arith.addi %select_n3A_161, %mul3A_6 : i32
        %ne3A = arith.cmpi ne, %add3A_135, %add3A_153 : i32
        %or3A = arith.constant false
        %or3A_163 = arith.ori %or3A, %ne3A : i1
        %or3A_164 = arith.constant false
        %or3A_165 = arith.ori %or3A_163, %or3A_164 : i1
        %ge3A = arith.constant 15 : i32
        %ge3A_166 = arith.cmpi sge, %scan3A_125, %ge3A : i32
        %not3A = arith.constant true
        %not3A_167 = arith.xori %ge3A_166, %not3A : i1
        %and3A = arith.andi %or3A_165, %not3A_167 : i1
        %convert_element_type3A = arith.extui %and3A : i1 to i32
        %cond3A = arith.constant 0 : i32
        %cond3A_168 = arith.cmpi ne, %convert_element_type3A, %cond3A : i32
        scf.if %cond3A_168 {
          "tpu.trace_start"() <{level = 10 : i32, message = "ep_copy_in"}> : () -> ()
          %rem3A_621 = arith.constant 2 : i32
          %rem3A_622 = arith.remui %scan3A_126, %rem3A_621 : i32
          %mul3A_623 = arith.constant 8 : i32
          %mul3A_624 = arith.muli %mul3A_623, %add3A_153 : i32
          %dma_start3A_625 = arith.constant 0 : i32
          %dma_start3A_626 = arith.constant 0 : i32
          %dma_start3A_627 = tpu.memref_slice %run_scoped3A[%rem3A_622, %dma_start3A_625, %dma_start3A_626] : memref<2x8x50xi32, #tpu.memory_space<vmem>> -> memref<1x8x50xi32, #tpu.memory_space<vmem>>
          %dma_start3A_628 = tpu.memref_squeeze %dma_start3A_627 : memref<1x8x50xi32, #tpu.memory_space<vmem>> -> memref<8x50xi32, #tpu.memory_space<vmem>>
          %dma_start3A_629 = arith.constant 0 : i32
          %dma_start3A_630 = tpu.memref_slice %arg3[%mul3A_624, %dma_start3A_629] : memref<4096x50xi32, #tpu.memory_space<hbm>> -> memref<8x50xi32, #tpu.memory_space<hbm>>
          %dma_start3A_631 = tpu.memref_slice %run_scoped3A_7[%rem3A_622] : memref<2x!tpu.dma_semaphore, #tpu.memory_space<semaphore_mem>> -> memref<1x!tpu.dma_semaphore, #tpu.memory_space<semaphore_mem>>
          %dma_start3A_632 = tpu.memref_squeeze %dma_start3A_631 : memref<1x!tpu.dma_semaphore, #tpu.memory_space<semaphore_mem>> -> memref<!tpu.dma_semaphore, #tpu.memory_space<semaphore_mem>>
          %dma_start3A_633 = arith.constant 0 : i32
          %dma_start3A_634 = arith.constant 0 : i32
          %dma_start3A_635 = tpu.memref_slice %run_scoped3A[%rem3A_622, %dma_start3A_633, %dma_start3A_634] : memref<2x8x50xi32, #tpu.memory_space<vmem>> -> memref<1x8x50xi32, #tpu.memory_space<vmem>>
          %dma_start3A_636 = tpu.memref_squeeze %dma_start3A_635 : memref<1x8x50xi32, #tpu.memory_space<vmem>> -> memref<8x50xi32, #tpu.memory_space<vmem>>
          %dma_start3A_637 = arith.constant 0 : i32
          %dma_start3A_638 = tpu.memref_slice %arg3[%mul3A_624, %dma_start3A_637] : memref<4096x50xi32, #tpu.memory_space<hbm>> -> memref<8x50xi32, #tpu.memory_space<hbm>>
          tpu.enqueue_dma source(%dma_start3A_638 : memref<8x50xi32, #tpu.memory_space<hbm>>) target(%dma_start3A_636 : memref<8x50xi32, #tpu.memory_space<vmem>>) target_semaphore(%dma_start3A_632 : memref<!tpu.dma_semaphore, #tpu.memory_space<semaphore_mem>>)
          "tpu.trace_stop"() : () -> ()
        } else {
        }
        %and3A_169 = arith.constant true
        %and3A_170 = arith.andi %and3A, %and3A_169 : i1
        %add3A_171 = arith.constant 1 : i32
        %add3A_172 = arith.addi %scan3A_126, %add3A_171 : i32
        %select_n3A_173 = arith.select %and3A_170, %add3A_172, %scan3A_126 : i32
        %ne3A_174 = arith.cmpi ne, %add3A_135, %add3A_153 : i32
        %or3A_175 = arith.constant false
        %or3A_176 = arith.ori %or3A_175, %ne3A_174 : i1
        %or3A_177 = arith.constant false
        %or3A_178 = arith.ori %or3A_176, %or3A_177 : i1
        %or3A_179 = arith.constant false
        %or3A_180 = arith.ori %or3A_178, %or3A_179 : i1
        %ge3A_181 = arith.constant 15 : i32
        %ge3A_182 = arith.cmpi sge, %scan3A_125, %ge3A_181 : i32
        %not3A_183 = arith.constant true
        %not3A_184 = arith.xori %ge3A_182, %not3A_183 : i1
        %and3A_185 = arith.andi %or3A_180, %not3A_184 : i1
        %ne3A_186 = arith.cmpi ne, %add3A_135, %add3A_144 : i32
        %or3A_187 = arith.constant false
        %or3A_188 = arith.ori %or3A_187, %ne3A_186 : i1
        %or3A_189 = arith.constant false
        %or3A_190 = arith.ori %or3A_188, %or3A_189 : i1
        %or3A_191 = arith.ori %or3A_190, %eq3A_132 : i1
        %convert_element_type3A_192 = arith.extui %or3A_191 : i1 to i32
        %cond3A_193 = arith.constant 0 : i32
        %cond3A_194 = arith.cmpi ne, %convert_element_type3A_192, %cond3A_193 : i32
        scf.if %cond3A_194 {
          "tpu.trace_start"() <{level = 10 : i32, message = "ep_wait_in"}> : () -> ()
          %mul3A_621 = arith.constant 8 : i32
          %mul3A_622 = arith.muli %mul3A_621, %add3A_135 : i32
          %rem3A_623 = arith.constant 2 : i32
          %rem3A_624 = arith.remui %scan3A_127, %rem3A_623 : i32
          %dma_wait3A_625 = arith.constant 0 : i32
          %dma_wait3A_626 = arith.constant 0 : i32
          %dma_wait3A_627 = tpu.memref_slice %run_scoped3A[%rem3A_624, %dma_wait3A_625, %dma_wait3A_626] : memref<2x8x50xi32, #tpu.memory_space<vmem>> -> memref<1x8x50xi32, #tpu.memory_space<vmem>>
          %dma_wait3A_628 = tpu.memref_squeeze %dma_wait3A_627 : memref<1x8x50xi32, #tpu.memory_space<vmem>> -> memref<8x50xi32, #tpu.memory_space<vmem>>
          %dma_wait3A_629 = arith.constant 0 : i32
          %dma_wait3A_630 = tpu.memref_slice %arg3[%mul3A_622, %dma_wait3A_629] : memref<4096x50xi32, #tpu.memory_space<hbm>> -> memref<8x50xi32, #tpu.memory_space<hbm>>
          %dma_wait3A_631 = tpu.memref_slice %run_scoped3A_7[%rem3A_624] : memref<2x!tpu.dma_semaphore, #tpu.memory_space<semaphore_mem>> -> memref<1x!tpu.dma_semaphore, #tpu.memory_space<semaphore_mem>>
          %dma_wait3A_632 = tpu.memref_squeeze %dma_wait3A_631 : memref<1x!tpu.dma_semaphore, #tpu.memory_space<semaphore_mem>> -> memref<!tpu.dma_semaphore, #tpu.memory_space<semaphore_mem>>
          %dma_wait3A_633 = arith.constant 0 : i32
          %dma_wait3A_634 = arith.constant 0 : i32
          %dma_wait3A_635 = tpu.memref_slice %run_scoped3A[%rem3A_624, %dma_wait3A_633, %dma_wait3A_634] : memref<2x8x50xi32, #tpu.memory_space<vmem>> -> memref<1x8x50xi32, #tpu.memory_space<vmem>>
          %dma_wait3A_636 = tpu.memref_squeeze %dma_wait3A_635 : memref<1x8x50xi32, #tpu.memory_space<vmem>> -> memref<8x50xi32, #tpu.memory_space<vmem>>
          %dma_wait3A_637 = arith.constant 0 : i32
          %dma_wait3A_638 = tpu.memref_slice %arg3[%mul3A_622, %dma_wait3A_637] : memref<4096x50xi32, #tpu.memory_space<hbm>> -> memref<8x50xi32, #tpu.memory_space<hbm>>
          tpu.wait_dma2 semaphore(%dma_wait3A_632 : memref<!tpu.dma_semaphore, #tpu.memory_space<semaphore_mem>>) src(%dma_wait3A_638 : memref<8x50xi32, #tpu.memory_space<hbm>>) dst(%dma_wait3A_636 : memref<8x50xi32, #tpu.memory_space<vmem>>)
          "tpu.trace_stop"() : () -> ()
        } else {
        }
        %ne3A_195 = arith.cmpi ne, %add3A_135, %add3A_144 : i32
        %or3A_196 = arith.constant false
        %or3A_197 = arith.ori %or3A_196, %ne3A_195 : i1
        %or3A_198 = arith.constant false
        %or3A_199 = arith.ori %or3A_197, %or3A_198 : i1
        %or3A_200 = arith.constant false
        %or3A_201 = arith.ori %or3A_199, %or3A_200 : i1
        %or3A_202 = arith.ori %or3A_201, %eq3A_132 : i1
        %convert_element_type3A_203 = arith.extui %or3A_202 : i1 to i32
        %cond3A_204 = arith.constant 0 : i32
        %cond3A_205 = arith.cmpi ne, %convert_element_type3A_203, %cond3A_204 : i32
        scf.if %cond3A_205 {
        } else {
        }
        %rem3A_206 = arith.constant 2 : i32
        %rem3A_207 = arith.remui %scan3A_127, %rem3A_206 : i32
        %rem3A_208 = arith.constant 2 : i32
        %rem3A_209 = arith.remui %scan3A_128, %rem3A_208 : i32
        %dma_start3A_210 = arith.constant 0 : i32
        %dma_start3A_211 = arith.constant 0 : i32
        "tpu.trace_start"() <{level = 10 : i32, message = "ep_run_kernel"}> : () -> ()
        %dma_start3A_212 = arith.constant 0 : i32
        %dma_start3A_213 = arith.constant 0 : i32
        %dma_start3A_214 = arith.constant 0 : i32
        %dma_start3A_215 = tpu.memref_slice %run_scoped3A_8[%rem3A_209, %dma_start3A_212, %dma_start3A_213, %dma_start3A_214] : memref<2x8x50x128xf32, #tpu.memory_space<vmem>> -> memref<1x8x50x128xf32, #tpu.memory_space<vmem>>
        %dma_start3A_216 = tpu.memref_squeeze %dma_start3A_215 : memref<1x8x50x128xf32, #tpu.memory_space<vmem>> -> memref<8x50x128xf32, #tpu.memory_space<vmem>>
        %dma_start3A_217 = arith.constant 0 : i32
        %dma_start3A_218 = arith.constant 0 : i32
        %dma_start3A_219 = tpu.memref_slice %dma_start3A_216[%dma_start3A_211, %dma_start3A_217, %dma_start3A_218] : memref<8x50x128xf32, #tpu.memory_space<vmem>> -> memref<1x50x128xf32, #tpu.memory_space<vmem>>
        %dma_start3A_220 = tpu.memref_squeeze %dma_start3A_219 : memref<1x50x128xf32, #tpu.memory_space<vmem>> -> memref<50x128xf32, #tpu.memory_space<vmem>>
        %dma_start3A_221 = arith.constant 0 : i32
        %dma_start3A_222 = arith.constant 0 : i32
        %dma_start3A_223 = tpu.memref_slice %run_scoped3A[%rem3A_207, %dma_start3A_221, %dma_start3A_222] : memref<2x8x50xi32, #tpu.memory_space<vmem>> -> memref<1x8x50xi32, #tpu.memory_space<vmem>>
        %dma_start3A_224 = tpu.memref_squeeze %dma_start3A_223 : memref<1x8x50xi32, #tpu.memory_space<vmem>> -> memref<8x50xi32, #tpu.memory_space<vmem>>
        %dma_start3A_225 = arith.constant 0 : i32
        %dma_start3A_226 = tpu.memref_slice %dma_start3A_224[%dma_start3A_210, %dma_start3A_225] : memref<8x50xi32, #tpu.memory_space<vmem>> -> memref<1x50xi32, #tpu.memory_space<vmem>>
        %dma_start3A_227 = tpu.memref_squeeze %dma_start3A_226 : memref<1x50xi32, #tpu.memory_space<vmem>> -> memref<50xi32, #tpu.memory_space<vmem>>
        %dma_start3A_228 = arith.constant 0 : i32
        %dma_start3A_229 = arith.constant 0 : i32
        %dma_start3A_230 = tpu.memref_slice %arg2[%dma_start3A_228, %dma_start3A_229] : memref<100000x128xf32, #tpu.memory_space<hbm>> -> memref<100000x128xf32, #tpu.memory_space<hbm>>
        tpu.enqueue_indirect_dma source(%dma_start3A_230 : memref<100000x128xf32, #tpu.memory_space<hbm>>) target(%dma_start3A_220 : memref<50x128xf32, #tpu.memory_space<vmem>>) offsets(%dma_start3A_227 : memref<50xi32, #tpu.memory_space<vmem>>) semaphore(%arg5 : memref<!tpu.dma_semaphore, #tpu.memory_space<semaphore_mem>>)
        %dma_start3A_231 = arith.constant 1 : i32
        %dma_start3A_232 = arith.constant 1 : i32
        %dma_start3A_233 = arith.constant 0 : i32
        %dma_start3A_234 = arith.constant 0 : i32
        %dma_start3A_235 = arith.constant 0 : i32
        %dma_start3A_236 = tpu.memref_slice %run_scoped3A_8[%rem3A_209, %dma_start3A_233, %dma_start3A_234, %dma_start3A_235] : memref<2x8x50x128xf32, #tpu.memory_space<vmem>> -> memref<1x8x50x128xf32, #tpu.memory_space<vmem>>
        %dma_start3A_237 = tpu.memref_squeeze %dma_start3A_236 : memref<1x8x50x128xf32, #tpu.memory_space<vmem>> -> memref<8x50x128xf32, #tpu.memory_space<vmem>>
        %dma_start3A_238 = arith.constant 0 : i32
        %dma_start3A_239 = arith.constant 0 : i32
        %dma_start3A_240 = tpu.memref_slice %dma_start3A_237[%dma_start3A_232, %dma_start3A_238, %dma_start3A_239] : memref<8x50x128xf32, #tpu.memory_space<vmem>> -> memref<1x50x128xf32, #tpu.memory_space<vmem>>
        %dma_start3A_241 = tpu.memref_squeeze %dma_start3A_240 : memref<1x50x128xf32, #tpu.memory_space<vmem>> -> memref<50x128xf32, #tpu.memory_space<vmem>>
        %dma_start3A_242 = arith.constant 0 : i32
        %dma_start3A_243 = arith.constant 0 : i32
        %dma_start3A_244 = tpu.memref_slice %run_scoped3A[%rem3A_207, %dma_start3A_242, %dma_start3A_243] : memref<2x8x50xi32, #tpu.memory_space<vmem>> -> memref<1x8x50xi32, #tpu.memory_space<vmem>>
        %dma_start3A_245 = tpu.memref_squeeze %dma_start3A_244 : memref<1x8x50xi32, #tpu.memory_space<vmem>> -> memref<8x50xi32, #tpu.memory_space<vmem>>
        %dma_start3A_246 = arith.constant 0 : i32
        %dma_start3A_247 = tpu.memref_slice %dma_start3A_245[%dma_start3A_231, %dma_start3A_246] : memref<8x50xi32, #tpu.memory_space<vmem>> -> memref<1x50xi32, #tpu.memory_space<vmem>>
        %dma_start3A_248 = tpu.memref_squeeze %dma_start3A_247 : memref<1x50xi32, #tpu.memory_space<vmem>> -> memref<50xi32, #tpu.memory_space<vmem>>
        %dma_start3A_249 = arith.constant 0 : i32
        %dma_start3A_250 = arith.constant 0 : i32
        %dma_start3A_251 = tpu.memref_slice %arg2[%dma_start3A_249, %dma_start3A_250] : memref<100000x128xf32, #tpu.memory_space<hbm>> -> memref<100000x128xf32, #tpu.memory_space<hbm>>
        tpu.enqueue_indirect_dma source(%dma_start3A_251 : memref<100000x128xf32, #tpu.memory_space<hbm>>) target(%dma_start3A_241 : memref<50x128xf32, #tpu.memory_space<vmem>>) offsets(%dma_start3A_248 : memref<50xi32, #tpu.memory_space<vmem>>) semaphore(%arg5 : memref<!tpu.dma_semaphore, #tpu.memory_space<semaphore_mem>>)
        %dma_start3A_252 = arith.constant 2 : i32
        %dma_start3A_253 = arith.constant 2 : i32
        %dma_start3A_254 = arith.constant 0 : i32
        %dma_start3A_255 = arith.constant 0 : i32
        %dma_start3A_256 = arith.constant 0 : i32
        %dma_start3A_257 = tpu.memref_slice %run_scoped3A_8[%rem3A_209, %dma_start3A_254, %dma_start3A_255, %dma_start3A_256] : memref<2x8x50x128xf32, #tpu.memory_space<vmem>> -> memref<1x8x50x128xf32, #tpu.memory_space<vmem>>
        %dma_start3A_258 = tpu.memref_squeeze %dma_start3A_257 : memref<1x8x50x128xf32, #tpu.memory_space<vmem>> -> memref<8x50x128xf32, #tpu.memory_space<vmem>>
        %dma_start3A_259 = arith.constant 0 : i32
        %dma_start3A_260 = arith.constant 0 : i32
        %dma_start3A_261 = tpu.memref_slice %dma_start3A_258[%dma_start3A_253, %dma_start3A_259, %dma_start3A_260] : memref<8x50x128xf32, #tpu.memory_space<vmem>> -> memref<1x50x128xf32, #tpu.memory_space<vmem>>
        %dma_start3A_262 = tpu.memref_squeeze %dma_start3A_261 : memref<1x50x128xf32, #tpu.memory_space<vmem>> -> memref<50x128xf32, #tpu.memory_space<vmem>>
        %dma_start3A_263 = arith.constant 0 : i32
        %dma_start3A_264 = arith.constant 0 : i32
        %dma_start3A_265 = tpu.memref_slice %run_scoped3A[%rem3A_207, %dma_start3A_263, %dma_start3A_264] : memref<2x8x50xi32, #tpu.memory_space<vmem>> -> memref<1x8x50xi32, #tpu.memory_space<vmem>>
        %dma_start3A_266 = tpu.memref_squeeze %dma_start3A_265 : memref<1x8x50xi32, #tpu.memory_space<vmem>> -> memref<8x50xi32, #tpu.memory_space<vmem>>
        %dma_start3A_267 = arith.constant 0 : i32
        %dma_start3A_268 = tpu.memref_slice %dma_start3A_266[%dma_start3A_252, %dma_start3A_267] : memref<8x50xi32, #tpu.memory_space<vmem>> -> memref<1x50xi32, #tpu.memory_space<vmem>>
        %dma_start3A_269 = tpu.memref_squeeze %dma_start3A_268 : memref<1x50xi32, #tpu.memory_space<vmem>> -> memref<50xi32, #tpu.memory_space<vmem>>
        %dma_start3A_270 = arith.constant 0 : i32
        %dma_start3A_271 = arith.constant 0 : i32
        %dma_start3A_272 = tpu.memref_slice %arg2[%dma_start3A_270, %dma_start3A_271] : memref<100000x128xf32, #tpu.memory_space<hbm>> -> memref<100000x128xf32, #tpu.memory_space<hbm>>
        tpu.enqueue_indirect_dma source(%dma_start3A_272 : memref<100000x128xf32, #tpu.memory_space<hbm>>) target(%dma_start3A_262 : memref<50x128xf32, #tpu.memory_space<vmem>>) offsets(%dma_start3A_269 : memref<50xi32, #tpu.memory_space<vmem>>) semaphore(%arg5 : memref<!tpu.dma_semaphore, #tpu.memory_space<semaphore_mem>>)
        %dma_start3A_273 = arith.constant 3 : i32
        %dma_start3A_274 = arith.constant 3 : i32
        %dma_start3A_275 = arith.constant 0 : i32
        %dma_start3A_276 = arith.constant 0 : i32
        %dma_start3A_277 = arith.constant 0 : i32
        %dma_start3A_278 = tpu.memref_slice %run_scoped3A_8[%rem3A_209, %dma_start3A_275, %dma_start3A_276, %dma_start3A_277] : memref<2x8x50x128xf32, #tpu.memory_space<vmem>> -> memref<1x8x50x128xf32, #tpu.memory_space<vmem>>
        %dma_start3A_279 = tpu.memref_squeeze %dma_start3A_278 : memref<1x8x50x128xf32, #tpu.memory_space<vmem>> -> memref<8x50x128xf32, #tpu.memory_space<vmem>>
        %dma_start3A_280 = arith.constant 0 : i32
        %dma_start3A_281 = arith.constant 0 : i32
        %dma_start3A_282 = tpu.memref_slice %dma_start3A_279[%dma_start3A_274, %dma_start3A_280, %dma_start3A_281] : memref<8x50x128xf32, #tpu.memory_space<vmem>> -> memref<1x50x128xf32, #tpu.memory_space<vmem>>
        %dma_start3A_283 = tpu.memref_squeeze %dma_start3A_282 : memref<1x50x128xf32, #tpu.memory_space<vmem>> -> memref<50x128xf32, #tpu.memory_space<vmem>>
        %dma_start3A_284 = arith.constant 0 : i32
        %dma_start3A_285 = arith.constant 0 : i32
        %dma_start3A_286 = tpu.memref_slice %run_scoped3A[%rem3A_207, %dma_start3A_284, %dma_start3A_285] : memref<2x8x50xi32, #tpu.memory_space<vmem>> -> memref<1x8x50xi32, #tpu.memory_space<vmem>>
        %dma_start3A_287 = tpu.memref_squeeze %dma_start3A_286 : memref<1x8x50xi32, #tpu.memory_space<vmem>> -> memref<8x50xi32, #tpu.memory_space<vmem>>
        %dma_start3A_288 = arith.constant 0 : i32
        %dma_start3A_289 = tpu.memref_slice %dma_start3A_287[%dma_start3A_273, %dma_start3A_288] : memref<8x50xi32, #tpu.memory_space<vmem>> -> memref<1x50xi32, #tpu.memory_space<vmem>>
        %dma_start3A_290 = tpu.memref_squeeze %dma_start3A_289 : memref<1x50xi32, #tpu.memory_space<vmem>> -> memref<50xi32, #tpu.memory_space<vmem>>
        %dma_start3A_291 = arith.constant 0 : i32
        %dma_start3A_292 = arith.constant 0 : i32
        %dma_start3A_293 = tpu.memref_slice %arg2[%dma_start3A_291, %dma_start3A_292] : memref<100000x128xf32, #tpu.memory_space<hbm>> -> memref<100000x128xf32, #tpu.memory_space<hbm>>
        tpu.enqueue_indirect_dma source(%dma_start3A_293 : memref<100000x128xf32, #tpu.memory_space<hbm>>) target(%dma_start3A_283 : memref<50x128xf32, #tpu.memory_space<vmem>>) offsets(%dma_start3A_290 : memref<50xi32, #tpu.memory_space<vmem>>) semaphore(%arg5 : memref<!tpu.dma_semaphore, #tpu.memory_space<semaphore_mem>>)
        %dma_start3A_294 = arith.constant 4 : i32
        %dma_start3A_295 = arith.constant 4 : i32
        %dma_start3A_296 = arith.constant 0 : i32
        %dma_start3A_297 = arith.constant 0 : i32
        %dma_start3A_298 = arith.constant 0 : i32
        %dma_start3A_299 = tpu.memref_slice %run_scoped3A_8[%rem3A_209, %dma_start3A_296, %dma_start3A_297, %dma_start3A_298] : memref<2x8x50x128xf32, #tpu.memory_space<vmem>> -> memref<1x8x50x128xf32, #tpu.memory_space<vmem>>
        %dma_start3A_300 = tpu.memref_squeeze %dma_start3A_299 : memref<1x8x50x128xf32, #tpu.memory_space<vmem>> -> memref<8x50x128xf32, #tpu.memory_space<vmem>>
        %dma_start3A_301 = arith.constant 0 : i32
        %dma_start3A_302 = arith.constant 0 : i32
        %dma_start3A_303 = tpu.memref_slice %dma_start3A_300[%dma_start3A_295, %dma_start3A_301, %dma_start3A_302] : memref<8x50x128xf32, #tpu.memory_space<vmem>> -> memref<1x50x128xf32, #tpu.memory_space<vmem>>
        %dma_start3A_304 = tpu.memref_squeeze %dma_start3A_303 : memref<1x50x128xf32, #tpu.memory_space<vmem>> -> memref<50x128xf32, #tpu.memory_space<vmem>>
        %dma_start3A_305 = arith.constant 0 : i32
        %dma_start3A_306 = arith.constant 0 : i32
        %dma_start3A_307 = tpu.memref_slice %run_scoped3A[%rem3A_207, %dma_start3A_305, %dma_start3A_306] : memref<2x8x50xi32, #tpu.memory_space<vmem>> -> memref<1x8x50xi32, #tpu.memory_space<vmem>>
        %dma_start3A_308 = tpu.memref_squeeze %dma_start3A_307 : memref<1x8x50xi32, #tpu.memory_space<vmem>> -> memref<8x50xi32, #tpu.memory_space<vmem>>
        %dma_start3A_309 = arith.constant 0 : i32
        %dma_start3A_310 = tpu.memref_slice %dma_start3A_308[%dma_start3A_294, %dma_start3A_309] : memref<8x50xi32, #tpu.memory_space<vmem>> -> memref<1x50xi32, #tpu.memory_space<vmem>>
        %dma_start3A_311 = tpu.memref_squeeze %dma_start3A_310 : memref<1x50xi32, #tpu.memory_space<vmem>> -> memref<50xi32, #tpu.memory_space<vmem>>
        %dma_start3A_312 = arith.constant 0 : i32
        %dma_start3A_313 = arith.constant 0 : i32
        %dma_start3A_314 = tpu.memref_slice %arg2[%dma_start3A_312, %dma_start3A_313] : memref<100000x128xf32, #tpu.memory_space<hbm>> -> memref<100000x128xf32, #tpu.memory_space<hbm>>
        tpu.enqueue_indirect_dma source(%dma_start3A_314 : memref<100000x128xf32, #tpu.memory_space<hbm>>) target(%dma_start3A_304 : memref<50x128xf32, #tpu.memory_space<vmem>>) offsets(%dma_start3A_311 : memref<50xi32, #tpu.memory_space<vmem>>) semaphore(%arg5 : memref<!tpu.dma_semaphore, #tpu.memory_space<semaphore_mem>>)
        %dma_start3A_315 = arith.constant 5 : i32
        %dma_start3A_316 = arith.constant 5 : i32
        %dma_start3A_317 = arith.constant 0 : i32
        %dma_start3A_318 = arith.constant 0 : i32
        %dma_start3A_319 = arith.constant 0 : i32
        %dma_start3A_320 = tpu.memref_slice %run_scoped3A_8[%rem3A_209, %dma_start3A_317, %dma_start3A_318, %dma_start3A_319] : memref<2x8x50x128xf32, #tpu.memory_space<vmem>> -> memref<1x8x50x128xf32, #tpu.memory_space<vmem>>
        %dma_start3A_321 = tpu.memref_squeeze %dma_start3A_320 : memref<1x8x50x128xf32, #tpu.memory_space<vmem>> -> memref<8x50x128xf32, #tpu.memory_space<vmem>>
        %dma_start3A_322 = arith.constant 0 : i32
        %dma_start3A_323 = arith.constant 0 : i32
        %dma_start3A_324 = tpu.memref_slice %dma_start3A_321[%dma_start3A_316, %dma_start3A_322, %dma_start3A_323] : memref<8x50x128xf32, #tpu.memory_space<vmem>> -> memref<1x50x128xf32, #tpu.memory_space<vmem>>
        %dma_start3A_325 = tpu.memref_squeeze %dma_start3A_324 : memref<1x50x128xf32, #tpu.memory_space<vmem>> -> memref<50x128xf32, #tpu.memory_space<vmem>>
        %dma_start3A_326 = arith.constant 0 : i32
        %dma_start3A_327 = arith.constant 0 : i32
        %dma_start3A_328 = tpu.memref_slice %run_scoped3A[%rem3A_207, %dma_start3A_326, %dma_start3A_327] : memref<2x8x50xi32, #tpu.memory_space<vmem>> -> memref<1x8x50xi32, #tpu.memory_space<vmem>>
        %dma_start3A_329 = tpu.memref_squeeze %dma_start3A_328 : memref<1x8x50xi32, #tpu.memory_space<vmem>> -> memref<8x50xi32, #tpu.memory_space<vmem>>
        %dma_start3A_330 = arith.constant 0 : i32
        %dma_start3A_331 = tpu.memref_slice %dma_start3A_329[%dma_start3A_315, %dma_start3A_330] : memref<8x50xi32, #tpu.memory_space<vmem>> -> memref<1x50xi32, #tpu.memory_space<vmem>>
        %dma_start3A_332 = tpu.memref_squeeze %dma_start3A_331 : memref<1x50xi32, #tpu.memory_space<vmem>> -> memref<50xi32, #tpu.memory_space<vmem>>
        %dma_start3A_333 = arith.constant 0 : i32
        %dma_start3A_334 = arith.constant 0 : i32
        %dma_start3A_335 = tpu.memref_slice %arg2[%dma_start3A_333, %dma_start3A_334] : memref<100000x128xf32, #tpu.memory_space<hbm>> -> memref<100000x128xf32, #tpu.memory_space<hbm>>
        tpu.enqueue_indirect_dma source(%dma_start3A_335 : memref<100000x128xf32, #tpu.memory_space<hbm>>) target(%dma_start3A_325 : memref<50x128xf32, #tpu.memory_space<vmem>>) offsets(%dma_start3A_332 : memref<50xi32, #tpu.memory_space<vmem>>) semaphore(%arg5 : memref<!tpu.dma_semaphore, #tpu.memory_space<semaphore_mem>>)
        %dma_start3A_336 = arith.constant 6 : i32
        %dma_start3A_337 = arith.constant 6 : i32
        %dma_start3A_338 = arith.constant 0 : i32
        %dma_start3A_339 = arith.constant 0 : i32
        %dma_start3A_340 = arith.constant 0 : i32
        %dma_start3A_341 = tpu.memref_slice %run_scoped3A_8[%rem3A_209, %dma_start3A_338, %dma_start3A_339, %dma_start3A_340] : memref<2x8x50x128xf32, #tpu.memory_space<vmem>> -> memref<1x8x50x128xf32, #tpu.memory_space<vmem>>
        %dma_start3A_342 = tpu.memref_squeeze %dma_start3A_341 : memref<1x8x50x128xf32, #tpu.memory_space<vmem>> -> memref<8x50x128xf32, #tpu.memory_space<vmem>>
        %dma_start3A_343 = arith.constant 0 : i32
        %dma_start3A_344 = arith.constant 0 : i32
        %dma_start3A_345 = tpu.memref_slice %dma_start3A_342[%dma_start3A_337, %dma_start3A_343, %dma_start3A_344] : memref<8x50x128xf32, #tpu.memory_space<vmem>> -> memref<1x50x128xf32, #tpu.memory_space<vmem>>
        %dma_start3A_346 = tpu.memref_squeeze %dma_start3A_345 : memref<1x50x128xf32, #tpu.memory_space<vmem>> -> memref<50x128xf32, #tpu.memory_space<vmem>>
        %dma_start3A_347 = arith.constant 0 : i32
        %dma_start3A_348 = arith.constant 0 : i32
        %dma_start3A_349 = tpu.memref_slice %run_scoped3A[%rem3A_207, %dma_start3A_347, %dma_start3A_348] : memref<2x8x50xi32, #tpu.memory_space<vmem>> -> memref<1x8x50xi32, #tpu.memory_space<vmem>>
        %dma_start3A_350 = tpu.memref_squeeze %dma_start3A_349 : memref<1x8x50xi32, #tpu.memory_space<vmem>> -> memref<8x50xi32, #tpu.memory_space<vmem>>
        %dma_start3A_351 = arith.constant 0 : i32
        %dma_start3A_352 = tpu.memref_slice %dma_start3A_350[%dma_start3A_336, %dma_start3A_351] : memref<8x50xi32, #tpu.memory_space<vmem>> -> memref<1x50xi32, #tpu.memory_space<vmem>>
        %dma_start3A_353 = tpu.memref_squeeze %dma_start3A_352 : memref<1x50xi32, #tpu.memory_space<vmem>> -> memref<50xi32, #tpu.memory_space<vmem>>
        %dma_start3A_354 = arith.constant 0 : i32
        %dma_start3A_355 = arith.constant 0 : i32
        %dma_start3A_356 = tpu.memref_slice %arg2[%dma_start3A_354, %dma_start3A_355] : memref<100000x128xf32, #tpu.memory_space<hbm>> -> memref<100000x128xf32, #tpu.memory_space<hbm>>
        tpu.enqueue_indirect_dma source(%dma_start3A_356 : memref<100000x128xf32, #tpu.memory_space<hbm>>) target(%dma_start3A_346 : memref<50x128xf32, #tpu.memory_space<vmem>>) offsets(%dma_start3A_353 : memref<50xi32, #tpu.memory_space<vmem>>) semaphore(%arg5 : memref<!tpu.dma_semaphore, #tpu.memory_space<semaphore_mem>>)
        %dma_start3A_357 = arith.constant 7 : i32
        %dma_start3A_358 = arith.constant 7 : i32
        %dma_start3A_359 = arith.constant 0 : i32
        %dma_start3A_360 = arith.constant 0 : i32
        %dma_start3A_361 = arith.constant 0 : i32
        %dma_start3A_362 = tpu.memref_slice %run_scoped3A_8[%rem3A_209, %dma_start3A_359, %dma_start3A_360, %dma_start3A_361] : memref<2x8x50x128xf32, #tpu.memory_space<vmem>> -> memref<1x8x50x128xf32, #tpu.memory_space<vmem>>
        %dma_start3A_363 = tpu.memref_squeeze %dma_start3A_362 : memref<1x8x50x128xf32, #tpu.memory_space<vmem>> -> memref<8x50x128xf32, #tpu.memory_space<vmem>>
        %dma_start3A_364 = arith.constant 0 : i32
        %dma_start3A_365 = arith.constant 0 : i32
        %dma_start3A_366 = tpu.memref_slice %dma_start3A_363[%dma_start3A_358, %dma_start3A_364, %dma_start3A_365] : memref<8x50x128xf32, #tpu.memory_space<vmem>> -> memref<1x50x128xf32, #tpu.memory_space<vmem>>
        %dma_start3A_367 = tpu.memref_squeeze %dma_start3A_366 : memref<1x50x128xf32, #tpu.memory_space<vmem>> -> memref<50x128xf32, #tpu.memory_space<vmem>>
        %dma_start3A_368 = arith.constant 0 : i32
        %dma_start3A_369 = arith.constant 0 : i32
        %dma_start3A_370 = tpu.memref_slice %run_scoped3A[%rem3A_207, %dma_start3A_368, %dma_start3A_369] : memref<2x8x50xi32, #tpu.memory_space<vmem>> -> memref<1x8x50xi32, #tpu.memory_space<vmem>>
        %dma_start3A_371 = tpu.memref_squeeze %dma_start3A_370 : memref<1x8x50xi32, #tpu.memory_space<vmem>> -> memref<8x50xi32, #tpu.memory_space<vmem>>
        %dma_start3A_372 = arith.constant 0 : i32
        %dma_start3A_373 = tpu.memref_slice %dma_start3A_371[%dma_start3A_357, %dma_start3A_372] : memref<8x50xi32, #tpu.memory_space<vmem>> -> memref<1x50xi32, #tpu.memory_space<vmem>>
        %dma_start3A_374 = tpu.memref_squeeze %dma_start3A_373 : memref<1x50xi32, #tpu.memory_space<vmem>> -> memref<50xi32, #tpu.memory_space<vmem>>
        %dma_start3A_375 = arith.constant 0 : i32
        %dma_start3A_376 = arith.constant 0 : i32
        %dma_start3A_377 = tpu.memref_slice %arg2[%dma_start3A_375, %dma_start3A_376] : memref<100000x128xf32, #tpu.memory_space<hbm>> -> memref<100000x128xf32, #tpu.memory_space<hbm>>
        tpu.enqueue_indirect_dma source(%dma_start3A_377 : memref<100000x128xf32, #tpu.memory_space<hbm>>) target(%dma_start3A_367 : memref<50x128xf32, #tpu.memory_space<vmem>>) offsets(%dma_start3A_374 : memref<50xi32, #tpu.memory_space<vmem>>) semaphore(%arg5 : memref<!tpu.dma_semaphore, #tpu.memory_space<semaphore_mem>>)
        %dma_wait3A_378 = arith.constant 0 : i32
        %dma_wait3A_379 = arith.constant 0 : i32
        %dma_wait3A_380 = arith.constant 0 : i32
        %dma_wait3A_381 = arith.constant 0 : i32
        %dma_wait3A_382 = arith.constant 0 : i32
        %dma_wait3A_383 = tpu.memref_slice %run_scoped3A_8[%rem3A_209, %dma_wait3A_380, %dma_wait3A_381, %dma_wait3A_382] : memref<2x8x50x128xf32, #tpu.memory_space<vmem>> -> memref<1x8x50x128xf32, #tpu.memory_space<vmem>>
        %dma_wait3A_384 = tpu.memref_squeeze %dma_wait3A_383 : memref<1x8x50x128xf32, #tpu.memory_space<vmem>> -> memref<8x50x128xf32, #tpu.memory_space<vmem>>
        %dma_wait3A_385 = arith.constant 0 : i32
        %dma_wait3A_386 = arith.constant 0 : i32
        %dma_wait3A_387 = tpu.memref_slice %dma_wait3A_384[%dma_wait3A_379, %dma_wait3A_385, %dma_wait3A_386] : memref<8x50x128xf32, #tpu.memory_space<vmem>> -> memref<1x50x128xf32, #tpu.memory_space<vmem>>
        %dma_wait3A_388 = tpu.memref_squeeze %dma_wait3A_387 : memref<1x50x128xf32, #tpu.memory_space<vmem>> -> memref<50x128xf32, #tpu.memory_space<vmem>>
        %dma_wait3A_389 = arith.constant 0 : i32
        %dma_wait3A_390 = arith.constant 0 : i32
        %dma_wait3A_391 = tpu.memref_slice %run_scoped3A[%rem3A_207, %dma_wait3A_389, %dma_wait3A_390] : memref<2x8x50xi32, #tpu.memory_space<vmem>> -> memref<1x8x50xi32, #tpu.memory_space<vmem>>
        %dma_wait3A_392 = tpu.memref_squeeze %dma_wait3A_391 : memref<1x8x50xi32, #tpu.memory_space<vmem>> -> memref<8x50xi32, #tpu.memory_space<vmem>>
        %dma_wait3A_393 = arith.constant 0 : i32
        %dma_wait3A_394 = tpu.memref_slice %dma_wait3A_392[%dma_wait3A_378, %dma_wait3A_393] : memref<8x50xi32, #tpu.memory_space<vmem>> -> memref<1x50xi32, #tpu.memory_space<vmem>>
        %dma_wait3A_395 = tpu.memref_squeeze %dma_wait3A_394 : memref<1x50xi32, #tpu.memory_space<vmem>> -> memref<50xi32, #tpu.memory_space<vmem>>
        %dma_wait3A_396 = arith.constant 0 : i32
        %dma_wait3A_397 = arith.constant 0 : i32
        %dma_wait3A_398 = tpu.memref_slice %arg2[%dma_wait3A_396, %dma_wait3A_397] : memref<100000x128xf32, #tpu.memory_space<hbm>> -> memref<100000x128xf32, #tpu.memory_space<hbm>>
        tpu.wait_indirect_dma semaphore(%arg5 : memref<!tpu.dma_semaphore, #tpu.memory_space<semaphore_mem>>) src(%dma_wait3A_398 : memref<100000x128xf32, #tpu.memory_space<hbm>>) dst(%dma_wait3A_388 : memref<50x128xf32, #tpu.memory_space<vmem>>)
        %dma_wait3A_399 = arith.constant 1 : i32
        %dma_wait3A_400 = arith.constant 1 : i32
        %dma_wait3A_401 = arith.constant 0 : i32
        %dma_wait3A_402 = arith.constant 0 : i32
        %dma_wait3A_403 = arith.constant 0 : i32
        %dma_wait3A_404 = tpu.memref_slice %run_scoped3A_8[%rem3A_209, %dma_wait3A_401, %dma_wait3A_402, %dma_wait3A_403] : memref<2x8x50x128xf32, #tpu.memory_space<vmem>> -> memref<1x8x50x128xf32, #tpu.memory_space<vmem>>
        %dma_wait3A_405 = tpu.memref_squeeze %dma_wait3A_404 : memref<1x8x50x128xf32, #tpu.memory_space<vmem>> -> memref<8x50x128xf32, #tpu.memory_space<vmem>>
        %dma_wait3A_406 = arith.constant 0 : i32
        %dma_wait3A_407 = arith.constant 0 : i32
        %dma_wait3A_408 = tpu.memref_slice %dma_wait3A_405[%dma_wait3A_400, %dma_wait3A_406, %dma_wait3A_407] : memref<8x50x128xf32, #tpu.memory_space<vmem>> -> memref<1x50x128xf32, #tpu.memory_space<vmem>>
        %dma_wait3A_409 = tpu.memref_squeeze %dma_wait3A_408 : memref<1x50x128xf32, #tpu.memory_space<vmem>> -> memref<50x128xf32, #tpu.memory_space<vmem>>
        %dma_wait3A_410 = arith.constant 0 : i32
        %dma_wait3A_411 = arith.constant 0 : i32
        %dma_wait3A_412 = tpu.memref_slice %run_scoped3A[%rem3A_207, %dma_wait3A_410, %dma_wait3A_411] : memref<2x8x50xi32, #tpu.memory_space<vmem>> -> memref<1x8x50xi32, #tpu.memory_space<vmem>>
        %dma_wait3A_413 = tpu.memref_squeeze %dma_wait3A_412 : memref<1x8x50xi32, #tpu.memory_space<vmem>> -> memref<8x50xi32, #tpu.memory_space<vmem>>
        %dma_wait3A_414 = arith.constant 0 : i32
        %dma_wait3A_415 = tpu.memref_slice %dma_wait3A_413[%dma_wait3A_399, %dma_wait3A_414] : memref<8x50xi32, #tpu.memory_space<vmem>> -> memref<1x50xi32, #tpu.memory_space<vmem>>
        %dma_wait3A_416 = tpu.memref_squeeze %dma_wait3A_415 : memref<1x50xi32, #tpu.memory_space<vmem>> -> memref<50xi32, #tpu.memory_space<vmem>>
        %dma_wait3A_417 = arith.constant 0 : i32
        %dma_wait3A_418 = arith.constant 0 : i32
        %dma_wait3A_419 = tpu.memref_slice %arg2[%dma_wait3A_417, %dma_wait3A_418] : memref<100000x128xf32, #tpu.memory_space<hbm>> -> memref<100000x128xf32, #tpu.memory_space<hbm>>
        tpu.wait_indirect_dma semaphore(%arg5 : memref<!tpu.dma_semaphore, #tpu.memory_space<semaphore_mem>>) src(%dma_wait3A_419 : memref<100000x128xf32, #tpu.memory_space<hbm>>) dst(%dma_wait3A_409 : memref<50x128xf32, #tpu.memory_space<vmem>>)
        %dma_wait3A_420 = arith.constant 2 : i32
        %dma_wait3A_421 = arith.constant 2 : i32
        %dma_wait3A_422 = arith.constant 0 : i32
        %dma_wait3A_423 = arith.constant 0 : i32
        %dma_wait3A_424 = arith.constant 0 : i32
        %dma_wait3A_425 = tpu.memref_slice %run_scoped3A_8[%rem3A_209, %dma_wait3A_422, %dma_wait3A_423, %dma_wait3A_424] : memref<2x8x50x128xf32, #tpu.memory_space<vmem>> -> memref<1x8x50x128xf32, #tpu.memory_space<vmem>>
        %dma_wait3A_426 = tpu.memref_squeeze %dma_wait3A_425 : memref<1x8x50x128xf32, #tpu.memory_space<vmem>> -> memref<8x50x128xf32, #tpu.memory_space<vmem>>
        %dma_wait3A_427 = arith.constant 0 : i32
        %dma_wait3A_428 = arith.constant 0 : i32
        %dma_wait3A_429 = tpu.memref_slice %dma_wait3A_426[%dma_wait3A_421, %dma_wait3A_427, %dma_wait3A_428] : memref<8x50x128xf32, #tpu.memory_space<vmem>> -> memref<1x50x128xf32, #tpu.memory_space<vmem>>
        %dma_wait3A_430 = tpu.memref_squeeze %dma_wait3A_429 : memref<1x50x128xf32, #tpu.memory_space<vmem>> -> memref<50x128xf32, #tpu.memory_space<vmem>>
        %dma_wait3A_431 = arith.constant 0 : i32
        %dma_wait3A_432 = arith.constant 0 : i32
        %dma_wait3A_433 = tpu.memref_slice %run_scoped3A[%rem3A_207, %dma_wait3A_431, %dma_wait3A_432] : memref<2x8x50xi32, #tpu.memory_space<vmem>> -> memref<1x8x50xi32, #tpu.memory_space<vmem>>
        %dma_wait3A_434 = tpu.memref_squeeze %dma_wait3A_433 : memref<1x8x50xi32, #tpu.memory_space<vmem>> -> memref<8x50xi32, #tpu.memory_space<vmem>>
        %dma_wait3A_435 = arith.constant 0 : i32
        %dma_wait3A_436 = tpu.memref_slice %dma_wait3A_434[%dma_wait3A_420, %dma_wait3A_435] : memref<8x50xi32, #tpu.memory_space<vmem>> -> memref<1x50xi32, #tpu.memory_space<vmem>>
        %dma_wait3A_437 = tpu.memref_squeeze %dma_wait3A_436 : memref<1x50xi32, #tpu.memory_space<vmem>> -> memref<50xi32, #tpu.memory_space<vmem>>
        %dma_wait3A_438 = arith.constant 0 : i32
        %dma_wait3A_439 = arith.constant 0 : i32
        %dma_wait3A_440 = tpu.memref_slice %arg2[%dma_wait3A_438, %dma_wait3A_439] : memref<100000x128xf32, #tpu.memory_space<hbm>> -> memref<100000x128xf32, #tpu.memory_space<hbm>>
        tpu.wait_indirect_dma semaphore(%arg5 : memref<!tpu.dma_semaphore, #tpu.memory_space<semaphore_mem>>) src(%dma_wait3A_440 : memref<100000x128xf32, #tpu.memory_space<hbm>>) dst(%dma_wait3A_430 : memref<50x128xf32, #tpu.memory_space<vmem>>)
        %dma_wait3A_441 = arith.constant 3 : i32
        %dma_wait3A_442 = arith.constant 3 : i32
        %dma_wait3A_443 = arith.constant 0 : i32
        %dma_wait3A_444 = arith.constant 0 : i32
        %dma_wait3A_445 = arith.constant 0 : i32
        %dma_wait3A_446 = tpu.memref_slice %run_scoped3A_8[%rem3A_209, %dma_wait3A_443, %dma_wait3A_444, %dma_wait3A_445] : memref<2x8x50x128xf32, #tpu.memory_space<vmem>> -> memref<1x8x50x128xf32, #tpu.memory_space<vmem>>
        %dma_wait3A_447 = tpu.memref_squeeze %dma_wait3A_446 : memref<1x8x50x128xf32, #tpu.memory_space<vmem>> -> memref<8x50x128xf32, #tpu.memory_space<vmem>>
        %dma_wait3A_448 = arith.constant 0 : i32
        %dma_wait3A_449 = arith.constant 0 : i32
        %dma_wait3A_450 = tpu.memref_slice %dma_wait3A_447[%dma_wait3A_442, %dma_wait3A_448, %dma_wait3A_449] : memref<8x50x128xf32, #tpu.memory_space<vmem>> -> memref<1x50x128xf32, #tpu.memory_space<vmem>>
        %dma_wait3A_451 = tpu.memref_squeeze %dma_wait3A_450 : memref<1x50x128xf32, #tpu.memory_space<vmem>> -> memref<50x128xf32, #tpu.memory_space<vmem>>
        %dma_wait3A_452 = arith.constant 0 : i32
        %dma_wait3A_453 = arith.constant 0 : i32
        %dma_wait3A_454 = tpu.memref_slice %run_scoped3A[%rem3A_207, %dma_wait3A_452, %dma_wait3A_453] : memref<2x8x50xi32, #tpu.memory_space<vmem>> -> memref<1x8x50xi32, #tpu.memory_space<vmem>>
        %dma_wait3A_455 = tpu.memref_squeeze %dma_wait3A_454 : memref<1x8x50xi32, #tpu.memory_space<vmem>> -> memref<8x50xi32, #tpu.memory_space<vmem>>
        %dma_wait3A_456 = arith.constant 0 : i32
        %dma_wait3A_457 = tpu.memref_slice %dma_wait3A_455[%dma_wait3A_441, %dma_wait3A_456] : memref<8x50xi32, #tpu.memory_space<vmem>> -> memref<1x50xi32, #tpu.memory_space<vmem>>
        %dma_wait3A_458 = tpu.memref_squeeze %dma_wait3A_457 : memref<1x50xi32, #tpu.memory_space<vmem>> -> memref<50xi32, #tpu.memory_space<vmem>>
        %dma_wait3A_459 = arith.constant 0 : i32
        %dma_wait3A_460 = arith.constant 0 : i32
        %dma_wait3A_461 = tpu.memref_slice %arg2[%dma_wait3A_459, %dma_wait3A_460] : memref<100000x128xf32, #tpu.memory_space<hbm>> -> memref<100000x128xf32, #tpu.memory_space<hbm>>
        tpu.wait_indirect_dma semaphore(%arg5 : memref<!tpu.dma_semaphore, #tpu.memory_space<semaphore_mem>>) src(%dma_wait3A_461 : memref<100000x128xf32, #tpu.memory_space<hbm>>) dst(%dma_wait3A_451 : memref<50x128xf32, #tpu.memory_space<vmem>>)
        %dma_wait3A_462 = arith.constant 4 : i32
        %dma_wait3A_463 = arith.constant 4 : i32
        %dma_wait3A_464 = arith.constant 0 : i32
        %dma_wait3A_465 = arith.constant 0 : i32
        %dma_wait3A_466 = arith.constant 0 : i32
        %dma_wait3A_467 = tpu.memref_slice %run_scoped3A_8[%rem3A_209, %dma_wait3A_464, %dma_wait3A_465, %dma_wait3A_466] : memref<2x8x50x128xf32, #tpu.memory_space<vmem>> -> memref<1x8x50x128xf32, #tpu.memory_space<vmem>>
        %dma_wait3A_468 = tpu.memref_squeeze %dma_wait3A_467 : memref<1x8x50x128xf32, #tpu.memory_space<vmem>> -> memref<8x50x128xf32, #tpu.memory_space<vmem>>
        %dma_wait3A_469 = arith.constant 0 : i32
        %dma_wait3A_470 = arith.constant 0 : i32
        %dma_wait3A_471 = tpu.memref_slice %dma_wait3A_468[%dma_wait3A_463, %dma_wait3A_469, %dma_wait3A_470] : memref<8x50x128xf32, #tpu.memory_space<vmem>> -> memref<1x50x128xf32, #tpu.memory_space<vmem>>
        %dma_wait3A_472 = tpu.memref_squeeze %dma_wait3A_471 : memref<1x50x128xf32, #tpu.memory_space<vmem>> -> memref<50x128xf32, #tpu.memory_space<vmem>>
        %dma_wait3A_473 = arith.constant 0 : i32
        %dma_wait3A_474 = arith.constant 0 : i32
        %dma_wait3A_475 = tpu.memref_slice %run_scoped3A[%rem3A_207, %dma_wait3A_473, %dma_wait3A_474] : memref<2x8x50xi32, #tpu.memory_space<vmem>> -> memref<1x8x50xi32, #tpu.memory_space<vmem>>
        %dma_wait3A_476 = tpu.memref_squeeze %dma_wait3A_475 : memref<1x8x50xi32, #tpu.memory_space<vmem>> -> memref<8x50xi32, #tpu.memory_space<vmem>>
        %dma_wait3A_477 = arith.constant 0 : i32
        %dma_wait3A_478 = tpu.memref_slice %dma_wait3A_476[%dma_wait3A_462, %dma_wait3A_477] : memref<8x50xi32, #tpu.memory_space<vmem>> -> memref<1x50xi32, #tpu.memory_space<vmem>>
        %dma_wait3A_479 = tpu.memref_squeeze %dma_wait3A_478 : memref<1x50xi32, #tpu.memory_space<vmem>> -> memref<50xi32, #tpu.memory_space<vmem>>
        %dma_wait3A_480 = arith.constant 0 : i32
        %dma_wait3A_481 = arith.constant 0 : i32
        %dma_wait3A_482 = tpu.memref_slice %arg2[%dma_wait3A_480, %dma_wait3A_481] : memref<100000x128xf32, #tpu.memory_space<hbm>> -> memref<100000x128xf32, #tpu.memory_space<hbm>>
        tpu.wait_indirect_dma semaphore(%arg5 : memref<!tpu.dma_semaphore, #tpu.memory_space<semaphore_mem>>) src(%dma_wait3A_482 : memref<100000x128xf32, #tpu.memory_space<hbm>>) dst(%dma_wait3A_472 : memref<50x128xf32, #tpu.memory_space<vmem>>)
        %dma_wait3A_483 = arith.constant 5 : i32
        %dma_wait3A_484 = arith.constant 5 : i32
        %dma_wait3A_485 = arith.constant 0 : i32
        %dma_wait3A_486 = arith.constant 0 : i32
        %dma_wait3A_487 = arith.constant 0 : i32
        %dma_wait3A_488 = tpu.memref_slice %run_scoped3A_8[%rem3A_209, %dma_wait3A_485, %dma_wait3A_486, %dma_wait3A_487] : memref<2x8x50x128xf32, #tpu.memory_space<vmem>> -> memref<1x8x50x128xf32, #tpu.memory_space<vmem>>
        %dma_wait3A_489 = tpu.memref_squeeze %dma_wait3A_488 : memref<1x8x50x128xf32, #tpu.memory_space<vmem>> -> memref<8x50x128xf32, #tpu.memory_space<vmem>>
        %dma_wait3A_490 = arith.constant 0 : i32
        %dma_wait3A_491 = arith.constant 0 : i32
        %dma_wait3A_492 = tpu.memref_slice %dma_wait3A_489[%dma_wait3A_484, %dma_wait3A_490, %dma_wait3A_491] : memref<8x50x128xf32, #tpu.memory_space<vmem>> -> memref<1x50x128xf32, #tpu.memory_space<vmem>>
        %dma_wait3A_493 = tpu.memref_squeeze %dma_wait3A_492 : memref<1x50x128xf32, #tpu.memory_space<vmem>> -> memref<50x128xf32, #tpu.memory_space<vmem>>
        %dma_wait3A_494 = arith.constant 0 : i32
        %dma_wait3A_495 = arith.constant 0 : i32
        %dma_wait3A_496 = tpu.memref_slice %run_scoped3A[%rem3A_207, %dma_wait3A_494, %dma_wait3A_495] : memref<2x8x50xi32, #tpu.memory_space<vmem>> -> memref<1x8x50xi32, #tpu.memory_space<vmem>>
        %dma_wait3A_497 = tpu.memref_squeeze %dma_wait3A_496 : memref<1x8x50xi32, #tpu.memory_space<vmem>> -> memref<8x50xi32, #tpu.memory_space<vmem>>
        %dma_wait3A_498 = arith.constant 0 : i32
        %dma_wait3A_499 = tpu.memref_slice %dma_wait3A_497[%dma_wait3A_483, %dma_wait3A_498] : memref<8x50xi32, #tpu.memory_space<vmem>> -> memref<1x50xi32, #tpu.memory_space<vmem>>
        %dma_wait3A_500 = tpu.memref_squeeze %dma_wait3A_499 : memref<1x50xi32, #tpu.memory_space<vmem>> -> memref<50xi32, #tpu.memory_space<vmem>>
        %dma_wait3A_501 = arith.constant 0 : i32
        %dma_wait3A_502 = arith.constant 0 : i32
        %dma_wait3A_503 = tpu.memref_slice %arg2[%dma_wait3A_501, %dma_wait3A_502] : memref<100000x128xf32, #tpu.memory_space<hbm>> -> memref<100000x128xf32, #tpu.memory_space<hbm>>
        tpu.wait_indirect_dma semaphore(%arg5 : memref<!tpu.dma_semaphore, #tpu.memory_space<semaphore_mem>>) src(%dma_wait3A_503 : memref<100000x128xf32, #tpu.memory_space<hbm>>) dst(%dma_wait3A_493 : memref<50x128xf32, #tpu.memory_space<vmem>>)
        %dma_wait3A_504 = arith.constant 6 : i32
        %dma_wait3A_505 = arith.constant 6 : i32
        %dma_wait3A_506 = arith.constant 0 : i32
        %dma_wait3A_507 = arith.constant 0 : i32
        %dma_wait3A_508 = arith.constant 0 : i32
        %dma_wait3A_509 = tpu.memref_slice %run_scoped3A_8[%rem3A_209, %dma_wait3A_506, %dma_wait3A_507, %dma_wait3A_508] : memref<2x8x50x128xf32, #tpu.memory_space<vmem>> -> memref<1x8x50x128xf32, #tpu.memory_space<vmem>>
        %dma_wait3A_510 = tpu.memref_squeeze %dma_wait3A_509 : memref<1x8x50x128xf32, #tpu.memory_space<vmem>> -> memref<8x50x128xf32, #tpu.memory_space<vmem>>
        %dma_wait3A_511 = arith.constant 0 : i32
        %dma_wait3A_512 = arith.constant 0 : i32
        %dma_wait3A_513 = tpu.memref_slice %dma_wait3A_510[%dma_wait3A_505, %dma_wait3A_511, %dma_wait3A_512] : memref<8x50x128xf32, #tpu.memory_space<vmem>> -> memref<1x50x128xf32, #tpu.memory_space<vmem>>
        %dma_wait3A_514 = tpu.memref_squeeze %dma_wait3A_513 : memref<1x50x128xf32, #tpu.memory_space<vmem>> -> memref<50x128xf32, #tpu.memory_space<vmem>>
        %dma_wait3A_515 = arith.constant 0 : i32
        %dma_wait3A_516 = arith.constant 0 : i32
        %dma_wait3A_517 = tpu.memref_slice %run_scoped3A[%rem3A_207, %dma_wait3A_515, %dma_wait3A_516] : memref<2x8x50xi32, #tpu.memory_space<vmem>> -> memref<1x8x50xi32, #tpu.memory_space<vmem>>
        %dma_wait3A_518 = tpu.memref_squeeze %dma_wait3A_517 : memref<1x8x50xi32, #tpu.memory_space<vmem>> -> memref<8x50xi32, #tpu.memory_space<vmem>>
        %dma_wait3A_519 = arith.constant 0 : i32
        %dma_wait3A_520 = tpu.memref_slice %dma_wait3A_518[%dma_wait3A_504, %dma_wait3A_519] : memref<8x50xi32, #tpu.memory_space<vmem>> -> memref<1x50xi32, #tpu.memory_space<vmem>>
        %dma_wait3A_521 = tpu.memref_squeeze %dma_wait3A_520 : memref<1x50xi32, #tpu.memory_space<vmem>> -> memref<50xi32, #tpu.memory_space<vmem>>
        %dma_wait3A_522 = arith.constant 0 : i32
        %dma_wait3A_523 = arith.constant 0 : i32
        %dma_wait3A_524 = tpu.memref_slice %arg2[%dma_wait3A_522, %dma_wait3A_523] : memref<100000x128xf32, #tpu.memory_space<hbm>> -> memref<100000x128xf32, #tpu.memory_space<hbm>>
        tpu.wait_indirect_dma semaphore(%arg5 : memref<!tpu.dma_semaphore, #tpu.memory_space<semaphore_mem>>) src(%dma_wait3A_524 : memref<100000x128xf32, #tpu.memory_space<hbm>>) dst(%dma_wait3A_514 : memref<50x128xf32, #tpu.memory_space<vmem>>)
        %dma_wait3A_525 = arith.constant 7 : i32
        %dma_wait3A_526 = arith.constant 7 : i32
        %dma_wait3A_527 = arith.constant 0 : i32
        %dma_wait3A_528 = arith.constant 0 : i32
        %dma_wait3A_529 = arith.constant 0 : i32
        %dma_wait3A_530 = tpu.memref_slice %run_scoped3A_8[%rem3A_209, %dma_wait3A_527, %dma_wait3A_528, %dma_wait3A_529] : memref<2x8x50x128xf32, #tpu.memory_space<vmem>> -> memref<1x8x50x128xf32, #tpu.memory_space<vmem>>
        %dma_wait3A_531 = tpu.memref_squeeze %dma_wait3A_530 : memref<1x8x50x128xf32, #tpu.memory_space<vmem>> -> memref<8x50x128xf32, #tpu.memory_space<vmem>>
        %dma_wait3A_532 = arith.constant 0 : i32
        %dma_wait3A_533 = arith.constant 0 : i32
        %dma_wait3A_534 = tpu.memref_slice %dma_wait3A_531[%dma_wait3A_526, %dma_wait3A_532, %dma_wait3A_533] : memref<8x50x128xf32, #tpu.memory_space<vmem>> -> memref<1x50x128xf32, #tpu.memory_space<vmem>>
        %dma_wait3A_535 = tpu.memref_squeeze %dma_wait3A_534 : memref<1x50x128xf32, #tpu.memory_space<vmem>> -> memref<50x128xf32, #tpu.memory_space<vmem>>
        %dma_wait3A_536 = arith.constant 0 : i32
        %dma_wait3A_537 = arith.constant 0 : i32
        %dma_wait3A_538 = tpu.memref_slice %run_scoped3A[%rem3A_207, %dma_wait3A_536, %dma_wait3A_537] : memref<2x8x50xi32, #tpu.memory_space<vmem>> -> memref<1x8x50xi32, #tpu.memory_space<vmem>>
        %dma_wait3A_539 = tpu.memref_squeeze %dma_wait3A_538 : memref<1x8x50xi32, #tpu.memory_space<vmem>> -> memref<8x50xi32, #tpu.memory_space<vmem>>
        %dma_wait3A_540 = arith.constant 0 : i32
        %dma_wait3A_541 = tpu.memref_slice %dma_wait3A_539[%dma_wait3A_525, %dma_wait3A_540] : memref<8x50xi32, #tpu.memory_space<vmem>> -> memref<1x50xi32, #tpu.memory_space<vmem>>
        %dma_wait3A_542 = tpu.memref_squeeze %dma_wait3A_541 : memref<1x50xi32, #tpu.memory_space<vmem>> -> memref<50xi32, #tpu.memory_space<vmem>>
        %dma_wait3A_543 = arith.constant 0 : i32
        %dma_wait3A_544 = arith.constant 0 : i32
        %dma_wait3A_545 = tpu.memref_slice %arg2[%dma_wait3A_543, %dma_wait3A_544] : memref<100000x128xf32, #tpu.memory_space<hbm>> -> memref<100000x128xf32, #tpu.memory_space<hbm>>
        tpu.wait_indirect_dma semaphore(%arg5 : memref<!tpu.dma_semaphore, #tpu.memory_space<semaphore_mem>>) src(%dma_wait3A_545 : memref<100000x128xf32, #tpu.memory_space<hbm>>) dst(%dma_wait3A_535 : memref<50x128xf32, #tpu.memory_space<vmem>>)
        "tpu.trace_stop"() : () -> ()
        %ne3A_546 = arith.cmpi ne, %add3A_135, %add3A_153 : i32
        %or3A_547 = arith.constant false
        %or3A_548 = arith.ori %or3A_547, %ne3A_546 : i1
        %or3A_549 = arith.constant false
        %or3A_550 = arith.ori %or3A_548, %or3A_549 : i1
        %or3A_551 = arith.ori %or3A_550, %eq3A_134 : i1
        %convert_element_type3A_552 = arith.extui %or3A_551 : i1 to i32
        %cond3A_553 = arith.constant 0 : i32
        %cond3A_554 = arith.cmpi ne, %convert_element_type3A_552, %cond3A_553 : i32
        scf.if %cond3A_554 {
        } else {
        }
        %and3A_555 = arith.constant false
        %and3A_556 = arith.andi %or3A_551, %and3A_555 : i1
        %ne3A_557 = arith.cmpi ne, %add3A_135, %add3A_153 : i32
        %or3A_558 = arith.constant false
        %or3A_559 = arith.ori %or3A_558, %ne3A_557 : i1
        %or3A_560 = arith.constant false
        %or3A_561 = arith.ori %or3A_559, %or3A_560 : i1
        %or3A_562 = arith.constant false
        %or3A_563 = arith.ori %or3A_561, %or3A_562 : i1
        %or3A_564 = arith.ori %or3A_563, %eq3A_134 : i1
        %convert_element_type3A_565 = arith.extui %or3A_564 : i1 to i32
        %cond3A_566 = arith.constant 0 : i32
        %cond3A_567 = arith.cmpi ne, %convert_element_type3A_565, %cond3A_566 : i32
        scf.if %cond3A_567 {
          "tpu.trace_start"() <{level = 10 : i32, message = "ep_copy_out"}> : () -> ()
          %rem3A_621 = arith.constant 2 : i32
          %rem3A_622 = arith.remui %scan3A_128, %rem3A_621 : i32
          %mul3A_623 = arith.constant 8 : i32
          %mul3A_624 = arith.muli %mul3A_623, %add3A_135 : i32
          %dma_start3A_625 = arith.constant 0 : i32
          %dma_start3A_626 = arith.constant 0 : i32
          %dma_start3A_627 = arith.constant 0 : i32
          %dma_start3A_628 = tpu.memref_slice %run_scoped3A_8[%rem3A_622, %dma_start3A_625, %dma_start3A_626, %dma_start3A_627] : memref<2x8x50x128xf32, #tpu.memory_space<vmem>> -> memref<1x8x50x128xf32, #tpu.memory_space<vmem>>
          %dma_start3A_629 = tpu.memref_squeeze %dma_start3A_628 : memref<1x8x50x128xf32, #tpu.memory_space<vmem>> -> memref<8x50x128xf32, #tpu.memory_space<vmem>>
          %dma_start3A_630 = arith.constant 0 : i32
          %dma_start3A_631 = arith.constant 0 : i32
          %dma_start3A_632 = tpu.memref_slice %arg4[%mul3A_624, %dma_start3A_630, %dma_start3A_631] : memref<4096x50x128xf32, #tpu.memory_space<hbm>> -> memref<8x50x128xf32, #tpu.memory_space<hbm>>
          %dma_start3A_633 = tpu.memref_slice %run_scoped3A_9[%rem3A_622] : memref<2x!tpu.dma_semaphore, #tpu.memory_space<semaphore_mem>> -> memref<1x!tpu.dma_semaphore, #tpu.memory_space<semaphore_mem>>
          %dma_start3A_634 = tpu.memref_squeeze %dma_start3A_633 : memref<1x!tpu.dma_semaphore, #tpu.memory_space<semaphore_mem>> -> memref<!tpu.dma_semaphore, #tpu.memory_space<semaphore_mem>>
          %dma_start3A_635 = arith.constant 0 : i32
          %dma_start3A_636 = arith.constant 0 : i32
          %dma_start3A_637 = tpu.memref_slice %arg4[%mul3A_624, %dma_start3A_635, %dma_start3A_636] : memref<4096x50x128xf32, #tpu.memory_space<hbm>> -> memref<8x50x128xf32, #tpu.memory_space<hbm>>
          %dma_start3A_638 = arith.constant 0 : i32
          %dma_start3A_639 = arith.constant 0 : i32
          %dma_start3A_640 = arith.constant 0 : i32
          %dma_start3A_641 = tpu.memref_slice %run_scoped3A_8[%rem3A_622, %dma_start3A_638, %dma_start3A_639, %dma_start3A_640] : memref<2x8x50x128xf32, #tpu.memory_space<vmem>> -> memref<1x8x50x128xf32, #tpu.memory_space<vmem>>
          %dma_start3A_642 = tpu.memref_squeeze %dma_start3A_641 : memref<1x8x50x128xf32, #tpu.memory_space<vmem>> -> memref<8x50x128xf32, #tpu.memory_space<vmem>>
          tpu.enqueue_dma source(%dma_start3A_642 : memref<8x50x128xf32, #tpu.memory_space<vmem>>) target(%dma_start3A_637 : memref<8x50x128xf32, #tpu.memory_space<hbm>>) target_semaphore(%dma_start3A_634 : memref<!tpu.dma_semaphore, #tpu.memory_space<semaphore_mem>>)
          "tpu.trace_stop"() : () -> ()
        } else {
        }
        %and3A_568 = arith.constant true
        %and3A_569 = arith.andi %or3A_564, %and3A_568 : i1
        %add3A_570 = arith.constant 1 : i32
        %add3A_571 = arith.addi %scan3A_128, %add3A_570 : i32
        %select_n3A_572 = arith.select %and3A_569, %add3A_571, %scan3A_128 : i32
        %ne3A_573 = arith.cmpi ne, %add3A_135, %add3A_144 : i32
        %or3A_574 = arith.constant false
        %or3A_575 = arith.ori %or3A_574, %ne3A_573 : i1
        %or3A_576 = arith.constant false
        %or3A_577 = arith.ori %or3A_575, %or3A_576 : i1
        %not3A_578 = arith.constant true
        %not3A_579 = arith.xori %eq3A_132, %not3A_578 : i1
        %and3A_580 = arith.andi %or3A_577, %not3A_579 : i1
        %convert_element_type3A_581 = arith.extui %and3A_580 : i1 to i32
        %cond3A_582 = arith.constant 0 : i32
        %cond3A_583 = arith.cmpi ne, %convert_element_type3A_581, %cond3A_582 : i32
        scf.if %cond3A_583 {
        } else {
        }
        %and3A_584 = arith.constant false
        %and3A_585 = arith.andi %and3A_580, %and3A_584 : i1
        %ne3A_586 = arith.cmpi ne, %add3A_135, %add3A_144 : i32
        %or3A_587 = arith.constant false
        %or3A_588 = arith.ori %or3A_587, %ne3A_586 : i1
        %or3A_589 = arith.constant false
        %or3A_590 = arith.ori %or3A_588, %or3A_589 : i1
        %or3A_591 = arith.constant false
        %or3A_592 = arith.ori %or3A_590, %or3A_591 : i1
        %not3A_593 = arith.constant true
        %not3A_594 = arith.xori %eq3A_132, %not3A_593 : i1
        %and3A_595 = arith.andi %or3A_592, %not3A_594 : i1
        %convert_element_type3A_596 = arith.extui %and3A_595 : i1 to i32
        %cond3A_597 = arith.constant 0 : i32
        %cond3A_598 = arith.cmpi ne, %convert_element_type3A_596, %cond3A_597 : i32
        scf.if %cond3A_598 {
          "tpu.trace_start"() <{level = 10 : i32, message = "ep_wait_out"}> : () -> ()
          %rem3A_621 = arith.constant 2 : i32
          %rem3A_622 = arith.remui %scan3A_129, %rem3A_621 : i32
          %mul3A_623 = arith.constant 8 : i32
          %mul3A_624 = arith.muli %mul3A_623, %add3A_144 : i32
          %dma_wait3A_625 = arith.constant 0 : i32
          %dma_wait3A_626 = arith.constant 0 : i32
          %dma_wait3A_627 = arith.constant 0 : i32
          %dma_wait3A_628 = tpu.memref_slice %run_scoped3A_8[%rem3A_622, %dma_wait3A_625, %dma_wait3A_626, %dma_wait3A_627] : memref<2x8x50x128xf32, #tpu.memory_space<vmem>> -> memref<1x8x50x128xf32, #tpu.memory_space<vmem>>
          %dma_wait3A_629 = tpu.memref_squeeze %dma_wait3A_628 : memref<1x8x50x128xf32, #tpu.memory_space<vmem>> -> memref<8x50x128xf32, #tpu.memory_space<vmem>>
          %dma_wait3A_630 = arith.constant 0 : i32
          %dma_wait3A_631 = arith.constant 0 : i32
          %dma_wait3A_632 = tpu.memref_slice %arg4[%mul3A_624, %dma_wait3A_630, %dma_wait3A_631] : memref<4096x50x128xf32, #tpu.memory_space<hbm>> -> memref<8x50x128xf32, #tpu.memory_space<hbm>>
          %dma_wait3A_633 = tpu.memref_slice %run_scoped3A_9[%rem3A_622] : memref<2x!tpu.dma_semaphore, #tpu.memory_space<semaphore_mem>> -> memref<1x!tpu.dma_semaphore, #tpu.memory_space<semaphore_mem>>
          %dma_wait3A_634 = tpu.memref_squeeze %dma_wait3A_633 : memref<1x!tpu.dma_semaphore, #tpu.memory_space<semaphore_mem>> -> memref<!tpu.dma_semaphore, #tpu.memory_space<semaphore_mem>>
          %dma_wait3A_635 = arith.constant 0 : i32
          %dma_wait3A_636 = arith.constant 0 : i32
          %dma_wait3A_637 = tpu.memref_slice %arg4[%mul3A_624, %dma_wait3A_635, %dma_wait3A_636] : memref<4096x50x128xf32, #tpu.memory_space<hbm>> -> memref<8x50x128xf32, #tpu.memory_space<hbm>>
          %dma_wait3A_638 = arith.constant 0 : i32
          %dma_wait3A_639 = arith.constant 0 : i32
          %dma_wait3A_640 = arith.constant 0 : i32
          %dma_wait3A_641 = tpu.memref_slice %run_scoped3A_8[%rem3A_622, %dma_wait3A_638, %dma_wait3A_639, %dma_wait3A_640] : memref<2x8x50x128xf32, #tpu.memory_space<vmem>> -> memref<1x8x50x128xf32, #tpu.memory_space<vmem>>
          %dma_wait3A_642 = tpu.memref_squeeze %dma_wait3A_641 : memref<1x8x50x128xf32, #tpu.memory_space<vmem>> -> memref<8x50x128xf32, #tpu.memory_space<vmem>>
          tpu.wait_dma2 semaphore(%dma_wait3A_634 : memref<!tpu.dma_semaphore, #tpu.memory_space<semaphore_mem>>) src(%dma_wait3A_642 : memref<8x50x128xf32, #tpu.memory_space<vmem>>) dst(%dma_wait3A_637 : memref<8x50x128xf32, #tpu.memory_space<hbm>>)
          "tpu.trace_stop"() : () -> ()
        } else {
        }
        %and3A_599 = arith.constant true
        %and3A_600 = arith.andi %and3A_595, %and3A_599 : i1
        %add3A_601 = arith.constant 1 : i32
        %add3A_602 = arith.addi %scan3A_129, %add3A_601 : i32
        %select_n3A_603 = arith.select %and3A_600, %add3A_602, %scan3A_129 : i32
        %ne3A_604 = arith.cmpi ne, %add3A_135, %add3A_153 : i32
        %or3A_605 = arith.constant false
        %or3A_606 = arith.ori %or3A_605, %ne3A_604 : i1
        %or3A_607 = arith.constant false
        %or3A_608 = arith.ori %or3A_606, %or3A_607 : i1
        %or3A_609 = arith.ori %or3A_608, %eq3A_134 : i1
        %add3A_610 = arith.constant 1 : i32
        %add3A_611 = arith.addi %scan3A_127, %add3A_610 : i32
        %select_n3A_612 = arith.select %or3A_609, %add3A_611, %scan3A_127 : i32
        %add3A_613 = arith.constant 1 : i32
        %add3A_614 = arith.addi %scan3A_130, %add3A_613 : i32
        %select_n3A_615 = arith.constant true
        %select_n3A_616 = arith.select %select_n3A_615, %add3A_614, %scan3A_130 : i32
        %eq3A_617 = arith.constant 16 : i32
        %eq3A_618 = arith.cmpi eq, %select_n3A_616, %eq3A_617 : i32
        %select_n3A_619 = arith.constant 0 : i32
        %select_n3A_620 = arith.select %eq3A_618, %select_n3A_619, %select_n3A_616 : i32
        scf.yield %select_n3A_173, %select_n3A_612, %select_n3A_572, %select_n3A_603, %select_n3A_620 : i32, i32, i32, i32, i32
      }
      %scan3A_68 = arith.constant 16 : i32
      %sub3A = arith.constant 1 : i32
      %sub3A_69 = arith.subi %scan3A_67#4, %sub3A : i32
      %select_n3A_70 = arith.constant true
      %select_n3A_71 = arith.select %select_n3A_70, %sub3A_69, %scan3A_67#4 : i32
      %eq3A_72 = arith.constant -1 : i32
      %eq3A_73 = arith.cmpi eq, %select_n3A_71, %eq3A_72 : i32
      %select_n3A_74 = arith.constant 15 : i32
      %select_n3A_75 = arith.select %eq3A_73, %select_n3A_74, %select_n3A_71 : i32
      %add3A_76 = arith.addi %select_n3A_75, %mul3A_6 : i32
      %sub3A_77 = arith.constant 1 : i32
      %sub3A_78 = arith.subi %select_n3A_75, %sub3A_77 : i32
      %select_n3A_79 = arith.constant true
      %select_n3A_80 = arith.select %select_n3A_79, %sub3A_78, %select_n3A_75 : i32
      %eq3A_81 = arith.constant -1 : i32
      %eq3A_82 = arith.cmpi eq, %select_n3A_80, %eq3A_81 : i32
      %select_n3A_83 = arith.constant 15 : i32
      %select_n3A_84 = arith.select %eq3A_82, %select_n3A_83, %select_n3A_80 : i32
      %add3A_85 = arith.addi %select_n3A_84, %mul3A_6 : i32
      %add3A_86 = arith.constant 1 : i32
      %add3A_87 = arith.addi %select_n3A_75, %add3A_86 : i32
      %select_n3A_88 = arith.constant true
      %select_n3A_89 = arith.select %select_n3A_88, %add3A_87, %select_n3A_75 : i32
      %eq3A_90 = arith.constant 16 : i32
      %eq3A_91 = arith.cmpi eq, %select_n3A_89, %eq3A_90 : i32
      %select_n3A_92 = arith.constant 0 : i32
      %select_n3A_93 = arith.select %eq3A_91, %select_n3A_92, %select_n3A_89 : i32
      %add3A_94 = arith.addi %select_n3A_93, %mul3A_6 : i32
      %add3A_95 = arith.constant 1 : i32
      %add3A_96 = arith.addi %select_n3A_93, %add3A_95 : i32
      %select_n3A_97 = arith.constant true
      %select_n3A_98 = arith.select %select_n3A_97, %add3A_96, %select_n3A_93 : i32
      %eq3A_99 = arith.constant 16 : i32
      %eq3A_100 = arith.cmpi eq, %select_n3A_98, %eq3A_99 : i32
      %select_n3A_101 = arith.constant 0 : i32
      %select_n3A_102 = arith.select %eq3A_100, %select_n3A_101, %select_n3A_98 : i32
      %add3A_103 = arith.addi %select_n3A_102, %mul3A_6 : i32
      "tpu.trace_start"() <{level = 10 : i32, message = "ep_finalize"}> : () -> ()
      %rem3A_104 = arith.constant 2 : i32
      %rem3A_105 = arith.remui %scan3A_67#3, %rem3A_104 : i32
      %mul3A_106 = arith.constant 8 : i32
      %mul3A_107 = arith.muli %mul3A_106, %add3A_76 : i32
      %dma_wait3A = arith.constant 0 : i32
      %dma_wait3A_108 = arith.constant 0 : i32
      %dma_wait3A_109 = arith.constant 0 : i32
      %dma_wait3A_110 = tpu.memref_slice %run_scoped3A_8[%rem3A_105, %dma_wait3A, %dma_wait3A_108, %dma_wait3A_109] : memref<2x8x50x128xf32, #tpu.memory_space<vmem>> -> memref<1x8x50x128xf32, #tpu.memory_space<vmem>>
      %dma_wait3A_111 = tpu.memref_squeeze %dma_wait3A_110 : memref<1x8x50x128xf32, #tpu.memory_space<vmem>> -> memref<8x50x128xf32, #tpu.memory_space<vmem>>
      %dma_wait3A_112 = arith.constant 0 : i32
      %dma_wait3A_113 = arith.constant 0 : i32
      %dma_wait3A_114 = tpu.memref_slice %arg4[%mul3A_107, %dma_wait3A_112, %dma_wait3A_113] : memref<4096x50x128xf32, #tpu.memory_space<hbm>> -> memref<8x50x128xf32, #tpu.memory_space<hbm>>
      %dma_wait3A_115 = tpu.memref_slice %run_scoped3A_9[%rem3A_105] : memref<2x!tpu.dma_semaphore, #tpu.memory_space<semaphore_mem>> -> memref<1x!tpu.dma_semaphore, #tpu.memory_space<semaphore_mem>>
      %dma_wait3A_116 = tpu.memref_squeeze %dma_wait3A_115 : memref<1x!tpu.dma_semaphore, #tpu.memory_space<semaphore_mem>> -> memref<!tpu.dma_semaphore, #tpu.memory_space<semaphore_mem>>
      %dma_wait3A_117 = arith.constant 0 : i32
      %dma_wait3A_118 = arith.constant 0 : i32
      %dma_wait3A_119 = tpu.memref_slice %arg4[%mul3A_107, %dma_wait3A_117, %dma_wait3A_118] : memref<4096x50x128xf32, #tpu.memory_space<hbm>> -> memref<8x50x128xf32, #tpu.memory_space<hbm>>
      %dma_wait3A_120 = arith.constant 0 : i32
      %dma_wait3A_121 = arith.constant 0 : i32
      %dma_wait3A_122 = arith.constant 0 : i32
      %dma_wait3A_123 = tpu.memref_slice %run_scoped3A_8[%rem3A_105, %dma_wait3A_120, %dma_wait3A_121, %dma_wait3A_122] : memref<2x8x50x128xf32, #tpu.memory_space<vmem>> -> memref<1x8x50x128xf32, #tpu.memory_space<vmem>>
      %dma_wait3A_124 = tpu.memref_squeeze %dma_wait3A_123 : memref<1x8x50x128xf32, #tpu.memory_space<vmem>> -> memref<8x50x128xf32, #tpu.memory_space<vmem>>
      tpu.wait_dma2 semaphore(%dma_wait3A_116 : memref<!tpu.dma_semaphore, #tpu.memory_space<semaphore_mem>>) src(%dma_wait3A_124 : memref<8x50x128xf32, #tpu.memory_space<vmem>>) dst(%dma_wait3A_119 : memref<8x50x128xf32, #tpu.memory_space<hbm>>)
      "tpu.trace_stop"() : () -> ()
      tpu.yield
    }) : () -> ()
    return
  }
}

module attributes {stable_mosaic.version = 14 : i64} {
  func.func @_scale_block(%arg0: i32, %arg1: memref<1000x128xf32, #tpu.memory_space<vmem>>, %arg2: memref<1000x128xf32, #tpu.memory_space<vmem>>) attributes {dimension_semantics = [#tpu.dimension_semantics<parallel>], iteration_bounds = array<i64: 100>, scalar_prefetch = 0 : i64, scratch_operands = 0 : i64, tpu.core_type = #tpu.core_type<tc>, window_params = [{transform_indices = @transform_0, window_bounds = array<i64: 1000, 128>}, {transform_indices = @transform_1, window_bounds = array<i64: 1000, 128>}]} {
    %get3A = arith.constant 0 : index
    %get3A_0 = arith.constant 0 : index
    %get3A_1 = vector.load %arg1[%get3A, %get3A_0] : memref<1000x128xf32, #tpu.memory_space<vmem>>, vector<1000x128xf32>
    %mul3A = arith.constant 11.3137083 : f32
    %mul3A_2 = vector.broadcast %mul3A : f32 to vector<1000x128xf32>
    %mul3A_3 = arith.mulf %get3A_1, %mul3A_2 : vector<1000x128xf32>
    %swap3A = arith.constant 0 : index
    %swap3A_4 = arith.constant 0 : index
    %swap3A_5 = vector.load %arg2[%swap3A, %swap3A_4] : memref<1000x128xf32, #tpu.memory_space<vmem>>, vector<1000x128xf32>
    tpu.vector_store %arg2[%swap3A, %swap3A_4], %mul3A_3 {strides = array<i32>} : memref<1000x128xf32, #tpu.memory_space<vmem>>, vector<1000x128xf32>,
    return
  }
  func.func @transform_0(%arg0: i32) -> (i32, i32) {
    %c0_i32 = arith.constant 0 : i32
    %c0_i32_0 = arith.constant 0 : i32
    return %arg0, %c0_i32 : i32, i32
  }
  func.func @transform_1(%arg0: i32) -> (i32, i32) {
    %c0_i32 = arith.constant 0 : i32
    %c0_i32_0 = arith.constant 0 : i32
    return %arg0, %c0_i32 : i32, i32
  }
}

</mosaic_0001>

<sc_bundles>
// kernel: kernel.4.cloned.1.call-start
scs
__scs_entry_jumppad:
0x0: {  	(pc) =	sbr.rel $0x88, $3  }
0x1: {  	(tag) =	ssettag $0x0;
	lr =	simm.s32 $0x1  }
0x2: {  	[smem:$0x3F9F] =	sst lr;
	_ =	strace $0xD0000000  }
0x3: {  	_ = 	snop  }
0x4: {  	_ = 	snop  }
0x5: {  	_ = 	snop  }
0x6: {  	_ = 	snop  }
0x7: {  	_ = 	snop  }
__scs_overlays_trampoline_lowered:
0x8: {  	[smem:$0x3FAE] =	sst s0  }
0x9: {  	[smem:$0x3FAF] =	sst s1  }
0xa: {  	[smem:$0x3FB0] =	sst s2  }
0xb: {  	[smem:$0x3FB1] =	sst s3  }
0xc: {  	[smem:$0x3FB2] =	sst s4  }
0xd: {  	[smem:$0x3FB3] =	sst s5  }
0xe: {  	[smem:$0x3FB4] =	sst s6  }
0xf: {  	[smem:$0x3FB5] =	sst s7  }
0x10: {  	[smem:$0x3FB6] =	sst s8  }
0x11: {  	[smem:$0x3FB7] =	sst s9;
	s0 =	simm.s32 @!p0 $0x0  }
0x12: {  	s1 =	sld [smem:$0x3F9D];
	s0 =	simm.s32 @p0 $0x1  }
0x13: {  	[smem:$0x3FB8] =	sst s0;
	s0 =	simm.s32 @!p1 $0x0  }
0x14: {  	s2 =	sld [smem:$0x3F9C];
	s0 =	simm.s32 @p1 $0x1  }
0x15: {  	[smem:$0x3FB9] =	sst s0;
	s0 =	simm.s32 @!p2 $0x0  }
0x16: {  	s3 =	sld [smem:$0x3FDB];
	s0 =	simm.s32 @p2 $0x1  }
0x17: {  	s4 =	simm.s32 $0x1BF5;
	[smem:$0x3FBB] =	sst s0  }
0x18: {  	s0 =	sld [smem:$0x3F9E];
	_ =	swait.ge [sflag:s4], $0x0  }
0x19: {  	s7 =	sld [smem:$0x3F9F]  }
0x1a: {  	s8 =	sadd.s32 $0xFFFFE003, lr  }
0x1b: {  	s9 =	sadd.s32 $0xFFFFFEF7, lr;
	s5 =	simm.s32 $0xFFFFFFFF;
	p2 =	slt.u32 s8, $0xFFFFF086  }
0x1c: {  	p1 =	slt.u32 s9, $0xF7A;
	s5 =	simm.s32 @!p2 $0x0  }
0x1d: {  	s5 =	simm.s32 @p1 $0x1;
	p0 =	seq.s32 s7, s2  }
0x1e: {  	s7 =	smul.u32 @!p0 $0xF7A, s2;
	p2 =	seq.s32 @!p0 s5, $0x0  }
0x1f: {  	s9 =	smul.u32 $0xF7A, s1;
	s8 =	simm.s32 @!p0 $0x1BF5;
	p2 =	por !p2, p0  }
0x20: {  	[sflag:s8] =	ssyncset.s32 @!p0 $0xFFFFF086;
	s6 =	sadd.s32 @!p0 s3, s7;
	s7 =	simm.s32 @!p0 $0x108  }
0x21: {  	s3 =	sadd.s32 s3, s9;
	s6 =	sadd.s32 @!p0 $0x88, s6;
	s7 =	simm.s32 @p2 $0x1082  }
0x22: {  	[simem:s7], [sflag:s8] =	dma.local @!p0 [hbm:s6], $0xF7A  }
0x23: {  	s9 =	sor.u32 $0xD0000000, s2;
	s6 =	simm.s32 $0x108;
	_ =	swait.ge @!p0 [sflag:s8], $0x0  }
0x24: {  	s3 =	sadd.s32 $0x88, s3;
	s6 =	simm.s32 @!p1 $0x1082;
	[sflag:s4] =	ssyncset.s32 $0xFFFFF086  }
0x25: {  	[simem:s6], [sflag:s4] =	dma.local [hbm:s3], $0xF7A  }
0x26: {  	[smem:$0x3F9F] =	sst s1;
	(tag) =	ssettag s2;
	_ =	strace s9  }
0x27: {  	s1 =	sld [smem:$0x3FAF]  }
0x28: {  	s2 =	sld [smem:$0x3FB0]  }
0x29: {  	s4 =	sld [smem:$0x3FB2]  }
0x2a: {  	p0 =	seq.s32 s5, $0x0;
	s5 =	sld [smem:$0x3FB3]  }
0x2b: {  	s6 =	sld [smem:$0x3FB4]  }
0x2c: {  	s7 =	sld [smem:$0x3FB5]  }
0x2d: {  	s3 =	simm.s32 $0x108;
	s8 =	sld [smem:$0x3FB6]  }
0x2e: {  	s3 =	simm.s32 @!p0 $0x1082;
	s9 =	sld [smem:$0x3FB7]  }
0x2f: {  	lr =	sadd.s32 s0, s3;
	s0 =	sld [smem:$0x3FAE]  }
0x30: {  	s3 =	sld [smem:$0x3FB1]  }
0x31: {  	[smem:$0x3FBA] =	sst s10  }
0x32: {  	s10 =	sld [smem:$0x3FB8];
	_ =	sdelay $0x3  }
0x33: {  	p0 =	seq.s32 s10, $0x1;
	s10 =	sld [smem:$0x3FBA];
	_ =	sdelay $0x3  }
0x34: {  	[smem:$0x3FBA] =	sst s10  }
0x35: {  	s10 =	sld [smem:$0x3FB9];
	_ =	sdelay $0x3  }
0x36: {  	p1 =	seq.s32 s10, $0x1;
	s10 =	sld [smem:$0x3FBA];
	_ =	sdelay $0x3  }
0x37: {  	[smem:$0x3FBA] =	sst s10  }
0x38: {  	s10 =	sld [smem:$0x3FBB]  }
0x39: {  	_ = 	snop;
	(pc) =	sbr.ind lr, $3  }
0x3a: {  	_ = 	snop  }
0x3b: {  	_ = 	snop  }
0x3c: {  	p2 =	seq.s32 s10, $0x1;
	s10 =	sld [smem:$0x3FBA]  }
0x3d: {  	_ =	shalt  }
0x3e: {  	_ =	shalt  }
0x3f: {  	_ =	shalt  }
0x40: {  	_ =	shalt  }
0x41: {  	_ =	shalt  }
0x42: {  	_ =	shalt  }
0x43: {  	_ =	shalt  }
0x44: {  	_ =	shalt  }
0x45: {  	_ =	shalt  }
0x46: {  	_ =	shalt  }
0x47: {  	_ =	shalt  }
0x48: {  	_ =	shalt  }
0x49: {  	_ =	shalt  }
0x4a: {  	_ =	shalt  }
0x4b: {  	_ =	shalt  }
0x4c: {  	_ =	shalt  }
0x4d: {  	_ =	shalt  }
0x4e: {  	_ =	shalt  }
0x4f: {  	_ =	shalt  }
0x50: {  	_ =	shalt  }
0x51: {  	_ =	shalt  }
0x52: {  	_ =	shalt  }
0x53: {  	_ =	shalt  }
0x54: {  	_ =	shalt  }
0x55: {  	_ =	shalt  }
0x56: {  	_ =	shalt  }
0x57: {  	_ =	shalt  }
0x58: {  	_ =	shalt  }
0x59: {  	_ =	shalt  }
0x5a: {  	_ =	shalt  }
0x5b: {  	_ =	shalt  }
0x5c: {  	_ =	shalt  }
0x5d: {  	_ =	shalt  }
0x5e: {  	_ =	shalt  }
0x5f: {  	_ =	shalt  }
0x60: {  	_ =	shalt  }
0x61: {  	_ =	shalt  }
0x62: {  	_ =	shalt  }
0x63: {  	_ =	shalt  }
0x64: {  	_ =	shalt  }
0x65: {  	_ =	shalt  }
0x66: {  	_ =	shalt  }
0x67: {  	_ =	shalt  }
0x68: {  	_ =	shalt  }
0x69: {  	_ =	shalt  }
0x6a: {  	_ =	shalt  }
0x6b: {  	_ =	shalt  }
0x6c: {  	_ =	shalt  }
0x6d: {  	_ =	shalt  }
0x6e: {  	_ =	shalt  }
0x6f: {  	_ =	shalt  }
0x70: {  	_ =	shalt  }
0x71: {  	_ =	shalt  }
0x72: {  	_ =	shalt  }
0x73: {  	_ =	shalt  }
0x74: {  	_ =	shalt  }
0x75: {  	_ =	shalt  }
0x76: {  	_ =	shalt  }
0x77: {  	_ =	shalt  }
0x78: {  	_ =	shalt  }
0x79: {  	_ =	shalt  }
0x7a: {  	_ =	shalt  }
0x7b: {  	_ =	shalt  }
0x7c: {  	_ =	shalt  }
0x7d: {  	_ =	shalt  }
0x7e: {  	_ =	shalt  }
0x7f: {  	_ =	shalt  }
0x80: {  	_ =	shalt  }
0x81: {  	_ =	shalt  }
0x82: {  	_ =	shalt  }
0x83: {  	_ =	shalt  }
0x84: {  	_ =	shalt  }
0x85: {  	_ =	shalt  }
0x86: {  	_ =	shalt  }
0x87: {  	_ =	shalt  }
.Lfunc_end0:
.L_simem_size_0:
called_computation_lowered:
.L_overlay_start_0:
0x88: {  	s2 =	sld [smem:$0x3FD9]  }
0x89: {  	s3 =	sld [smem:$0x3FFE];
	_ =	sdelay $0x1  }
0x8a: {  	s1 =	srdreg.scid  }
0x8b: {  	s0 =	sand.u32 $0x1, s1  }
0x8c: {  	s17 =	sshll.u32 s0, $0xA;
	s2 =	sadd.s32 s3, s2  }
0x8d: {  	s2 =	sadd.s32 s2, s17  }
0x8e: {  	[smem:$0x3FC6] =	sst s2  }
0x8f: {  	_ = 	snop  }
0x90: {  	s2 =	sld [smem:$0x3FD0];
	(tm) =	ssettm $0x1  }
0x91: {  	s18 =	sld [smem:$0x3FFB];
	_ =	sdelay $0x3  }
0x92: {  	_ =	strace s18  }
0x93: {  	s3 =	sld [smem:$0x3FFC];
	_ =	sdelay $0x3  }
0x94: {  	_ =	strace s3  }
0x95: {  	s3 =	sld [smem:$0x3FFD];
	_ =	sdelay $0x3  }
0x96: {  	_ =	strace s3  }
0x97: {  	_ =	strace $0x8FFFFFFF  }
0x98: {  	s19 =	sld [smem:$0x3FDB];
	_ =	sdelay $0x1  }
0x99: {  	s4 =	simm.s32 $_scs_section_size  }
0x9a: {  	s5 =	simm.s32 $_size__tile_overlayer_lowered;
	s6 =	simm.s32 $_tile_overlayer_lowered  }
0x9b: {  	s22 =	simm.s32 $0x1BFF;
	s21 =	sshll.u32 s6, $0x1;
	s3 =	sadd.s32 s4, s19  }
0x9c: {  	s7 =	simm.s32 $0x0;
	s20 =	sshll.u32 s5, $0x1;
	s5 =	sadd.s32 s21, s3  }
0x9d: {  	[timem:s7], [sflag:s22] =	dma.local [hbm:s5], s20  }
0x9e: {  	_ =	swait.ge [sflag:s22], s20  }
0x9f: {  	s4 =	ssub.s32 $0x0, s20;
	[sflag:s22] =	ssyncset.done $0x0  }
0xa0: {  	[sflag:s22] =	ssyncadd.s32 s4;
	_ =	sdelay $0x1  }
0xa1: {  	s23 =	simm.s32 $0x1B8B  }
0xa2: {  	_ =	swait.ge [sflag:s23], $0x1  }
0xa3: {  	[sflag:s23] =	ssyncset.done $0x0  }
0xa4: {  	s25 =	simm.s32 $0x1B8E;
	s24 =	sld [smem:$0x3FFE];
	[sflag:s23] =	ssyncadd.s32 $0xFFFFFFFF  }
0xa5: {  	s26 =	simm.s32 $execute0_lowered;
	[smem:$0x3FD2] =	sst s25  }
0xa6: {  	s5 =	sshll.u32 s26, $0x1;
	_ =	strace $0x80000046;
	[dreg:$0x1] =	wrdreg $0xFFFFFFFF  }
0xa7: {  	s28 =	simm.s32 $_size_execute0_lowered;
	s3 =	sadd.s32 s3, s5;
	[dreg:$0x0] =	wrdreg $0x0  }
0xa8: {  	s5 =	sshll.u32 s28, $0x1;
	[dreg:$0x2] =	wrdreg s3  }
0xa9: {  	[dreg:$0x3] =	wrdreg s5  }
0xaa: {  	[dreg:$0x4] =	wrdreg $0xC0  }
0xab: {  	_ =	task [dreg:s7], $0x5FFFF  }
0xac: {  	[dreg:$0x1] =	wrdreg $0xFFFFFFFF  }
0xad: {  	[dreg:$0x0] =	wrdreg $0x60  }
0xae: {  	[dreg:$0x2] =	wrdreg s2  }
0xaf: {  	[dreg:$0x3] =	wrdreg s24  }
0xb0: {  	[dreg:$0x4] =	wrdreg $0x9  }
0xb1: {  	_ =	task.clear_ibuf [dreg:s7], $0x5FFFF;
	_ =	strace $0x90000046  }
0xb2: {  	s29 =	simm.s32 $0x9;
	_ =	strace $0x8000004F  }
0xb3: {  	_ =	swait.ge [sflag:s29], $0x1  }
0xb4: {  	[sflag:s29] =	ssyncadd.s32 $0xFFFFFFFF  }
0xb5: {  	_ =	strace $0x9000004F  }
0xb6: {  	_ =	sfence  }
0xb7: {  	s30 =	sld [smem:$0x0];
	_ =	sdelay $0x2  }
0xb8: {  	s31 =	sshll.u32 s1, $0xD;
	s1 =	sshrl.u32 s1, $0x2  }
0xb9: {  	s3 =	sand.u32 $0x4000, s31;
	s1 =	sadd.s32 s1, s30  }
0xba: {  	s0 =	sor.u32 s3, s0;
	s1 =	sshll.u32 s1, $0x11  }
0xbb: {  	s0 =	sor.u32 s1, s0  }
0xbc: {  	s0 =	sadd.s32 $0x8F2B, s0  }
0xbd: {  	[sflag:s0] =	ssyncadd.remote.s32 $0x1  }
0xbe: {  	_ =	sfence.sel $0xFFFF  }
0xbf: {  	[dreg:$0x0] =	wrdreg $0xFFFFFFFF;
	(pc) =	sbr.abs _section_cstart, $3  }
0xc0: {  	[dreg:$0x1] =	wrdreg $0xFFFFFFFF  }
0xc1: {  	_ =	task.clear_ibuf [dreg:s7], $0x2FFFF;
	_ =	strace $0x9FFFFFFF  }
0xc2: {  	(tm) =	ssettm $0x7FFFFFFF  }
0xc3: {  	_ =	shalt  }
tec
execute0_lowered:
.L_overlay_start_1:
0x0: {  	(tag) =	ssettag $0x1  }
0x1: {  	s1 =	rddreg [dreg:$0x0]  }
0x2: {  	s3 =	rddreg [dreg:$0x1]  }
0x3: {  	s0 =	rddreg [dreg:$0x2];
	s2 =	simm.s32 $0x0  }
0x4: {  	s5 =	srdreg.scid;
	s9 =	simm.s32 $0x32;
	s10 =	simm.s32 $0x5  }
0x5: {  	s11 =	simm.s32 $0x0;
	[smem:$0x7FF] =	sst s2;
	s4 =	sadd.s32 $0x400, s3  }
0x6: {  	s6 =	sadd.s32 $0x10400, s3;
	s5 =	sand.u32 $0x1, s5;
	s3 =	stileid.u32  }
0x7: {  	_ =	strace $0x80000047;
	s7 =	ssub.s32 $0x2, s5;
	s5 =	sshll.u32 s5, $0x4  }
0x8: {  	[dreg:$0x3] =	wrdreg s6;
	s30 =	sshrl.u32 s7, $0x1;
	s8 =	sor.u32 s3, s5  }
0x9: {  	s7 =	ssub.s32 s7, s30;
	s5 =	sshll.u32 s8, $0x4;
	s31 =	sshll.u32 s8, $0xB  }
0xa: {  	s8 =	simm.s32 $0x1;
	s6 =	sadd.s32 s4, s31;
	s7 =	smax.u32 s7, $0x1  }
.LBB2_1:
0xb: {  	_ =	strace $0x80000048;
	s12 =	simm.s32 $0x1;
	p0 =	por $0x0, $0x0  }
0xc: {  	[tilespmem:s2], [sflag:$0x2] =	stream.linear.gather [hbm4b:s6+s2], $0x400, $0x200038;
	[tilespmem:$0x19800] =	vst v63  }
0xd: {  	s12 =	simm.s32 @p0 $0x0  }
0xe: {  	p1 =	por $0x1, $0x1;
	p0 =	sne.s32 s12, $0x0  }
0xf: {  	p1 =	por !p1, !p0  }
0x10: {  	p1 =	por !p1, !p1  }
0x11: {  	s13 =	sadd.s32 @p1 s5, s12  }
0x12: {  	_ =	strace $0x90000048;
	s14 =	sand.u32 @p1 $0x1, s8;
	s13 =	sshll.u32 @p1 s13, $0x7  }
0x13: {  	s15 =	simm.s32 @p1 $0x0;
	_ =	strace @p1 $0x80000049;
	s13 =	sand.u32 @p1 $0x1FFFFF80, s13  }
0x14: {  	s16 =	sshll.u32 @p1 s14, $0xA;
	s14 =	sor.u32 @p1 $0x2, s14;
	s13 =	sadd.s32 @p1 s4, s13  }
0x15: {  	[tilespmem:s16], [sflag:s14] =	stream.linear.gather @p1 [hbm4b:s13+s15], $0x400, $0x200038;
	[tilespmem:$0x19800] =	vst v63  }
0x16: {  	s18 =	sand.u32 $0x1, s2;
	_ =	strace @p1 $0x90000049  }
0x17: {  	s15 =	sor.u32 $0x2, s18;
	_ =	strace $0x8000004A  }
0x18: {  	_ =	swait.ge [sflag:s15], $0x400  }
0x19: {  	s16 =	smul.u32 $0x32000, s18;
	[sflag:s15] =	ssyncset.done $0x0  }
0x1a: {  	[sflag:s15] =	ssyncadd.s32 $0xFFFFFC00  }
0x1b: {  	s17 =	simm.s32 $0x0;
	s14 =	sshrl.u32 s16, $0x2;
	_ =	strace $0x9000004A  }
0x1c: {  	s13 =	sand.u32 $0x400, s17;
	s15 =	sadd.s32 $0x800, s14;
	_ =	strace $0x8000004B  }
0x1d: {  	[tilespmem:s15], [sflag:$0x1] =	stream.indirect.gather [hbm4b:s1+s9], $0x80, s13, s9, $0x2000b8;
	[tilespmem:$0x19800] =	vst v63  }
0x1e: {  	s17 =	sor.u32 $0x80, s13;
	s19 =	sadd.s32 $0x2100, s14  }
0x1f: {  	[tilespmem:s19], [sflag:$0x1] =	stream.indirect.gather [hbm4b:s1+s9], $0x80, s17, s9, $0x2000b8;
	[tilespmem:$0x19800] =	vst v63  }
0x20: {  	s21 =	sor.u32 $0x100, s13;
	s20 =	sadd.s32 $0x3A00, s14  }
0x21: {  	[tilespmem:s20], [sflag:$0x1] =	stream.indirect.gather [hbm4b:s1+s9], $0x80, s21, s9, $0x2000b8;
	[tilespmem:$0x19800] =	vst v63  }
0x22: {  	s23 =	sor.u32 $0x180, s13;
	s22 =	sadd.s32 $0x5300, s14  }
0x23: {  	[tilespmem:s22], [sflag:$0x1] =	stream.indirect.gather [hbm4b:s1+s9], $0x80, s23, s9, $0x2000b8;
	[tilespmem:$0x19800] =	vst v63  }
0x24: {  	s25 =	sor.u32 $0x200, s13;
	s24 =	sadd.s32 $0x6C00, s14  }
0x25: {  	[tilespmem:s24], [sflag:$0x1] =	stream.indirect.gather [hbm4b:s1+s9], $0x80, s25, s9, $0x2000b8;
	[tilespmem:$0x19800] =	vst v63  }
0x26: {  	s29 =	sor.u32 $0x280, s13;
	s26 =	sadd.s32 $0x8500, s14  }
0x27: {  	[tilespmem:s26], [sflag:$0x1] =	stream.indirect.gather [hbm4b:s1+s9], $0x80, s29, s9, $0x2000b8;
	[tilespmem:$0x19800] =	vst v63  }
0x28: {  	s31 =	sor.u32 $0x300, s13;
	s30 =	sadd.s32 $0x9E00, s14  }
0x29: {  	[tilespmem:s30], [sflag:$0x1] =	stream.indirect.gather [hbm4b:s1+s9], $0x80, s31, s9, $0x2000b8;
	[tilespmem:$0x19800] =	vst v63  }
0x2a: {  	s14 =	sadd.s32 $0xB700, s14;
	s13 =	sor.u32 $0x380, s13  }
0x2b: {  	[tilespmem:s14], [sflag:$0x1] =	stream.indirect.gather [hbm4b:s1+s9], $0x80, s13, s9, $0x2000b8;
	[tilespmem:$0x19800] =	vst v63  }
0x2c: {  	_ =	swait.ge [sflag:s8], $0x1900  }
0x2d: {  	[sflag:s8] =	ssyncset.done $0x0  }
0x2e: {  	[sflag:s8] =	ssyncadd.s32 $0xFFFFE700  }
0x2f: {  	_ =	swait.ge [sflag:s8], $0x1900  }
0x30: {  	[sflag:s8] =	ssyncset.done $0x0  }
0x31: {  	[sflag:s8] =	ssyncadd.s32 $0xFFFFE700  }
0x32: {  	_ =	swait.ge [sflag:s8], $0x1900  }
0x33: {  	[sflag:s8] =	ssyncset.done $0x0  }
0x34: {  	[sflag:s8] =	ssyncadd.s32 $0xFFFFE700  }
0x35: {  	_ =	swait.ge [sflag:s8], $0x1900  }
0x36: {  	[sflag:s8] =	ssyncset.done $0x0  }
0x37: {  	p2 =	por $0x1, $0x1;
	p3 =	por $0x0, $0x0;
	[sflag:s8] =	ssyncadd.s32 $0xFFFFE700  }
0x38: {  	p4 =	por $0x0, $0x0;
	p6 =	por $0x1, $0x1;
	_ =	swait.ge [sflag:s8], $0x1900  }
0x39: {  	p5 =	por p3, p0;
	s16 =	simm.s32 $0xE;
	[sflag:s8] =	ssyncset.done $0x0  }
0x3a: {  	s19 =	sadd.s32 $0x1, s12;
	s20 =	sadd.s32 $0x0, s5;
	[sflag:s8] =	ssyncadd.s32 $0xFFFFE700  }
0x3b: {  	s21 =	smul.u32 @p5 $0xE000, s20;
	s22 =	simm.s32 $0x1;
	_ =	swait.ge [sflag:s8], $0x1900  }
0x3c: {  	s20 =	simm.s32 $0x0;
	s22 =	simm.s32 @!p5 $0x0;
	[sflag:s8] =	ssyncset.done $0x0  }
0x3d: {  	s25 =	sor.u32 @p5 $0x4, s18;
	s14 =	simm.s32 $0x1;
	[sflag:s8] =	ssyncadd.s32 $0xFFFFE700  }
0x3e: {  	s14 =	simm.s32 @!p1 $0x0;
	p1 =	por p2, p2;
	_ =	swait.ge [sflag:s8], $0x1900  }
0x3f: {  	s17 =	sadd.s32 $0x1, s14;
	s14 =	sand.u32 @!p2 $0x1, s2;
	[sflag:s8] =	ssyncset.done $0x0  }
0x40: {  	s24 =	sor.u32 @!p1 $0x4, s14;
	s14 =	simm.s32 $0x1;
	[sflag:s8] =	ssyncadd.s32 $0xFFFFE700  }
0x41: {  	s14 =	simm.s32 @!p4 $0x0;
	p4 =	seq.s32 s19, $0x10;
	_ =	swait.ge [sflag:s8], $0x1900  }
0x42: {  	s18 =	simm.s32 $0x0;
	s19 =	simm.s32 @p4 $0x0;
	[sflag:s8] =	ssyncset.done $0x0  }
0x43: {  	s13 =	simm.s32 $0xF;
	p0 =	sne.s32 s12, s19;
	[sflag:s8] =	ssyncadd.s32 $0xFFFFE700  }
0x44: {  	p2 =	por $0x0, $0x0;
	p3 =	por !p6, !p0;
	_ =	strace $0x9000004B  }
0x45: {  	s14 =	sadd.s32 $0x0, s14;
	p4 =	por !p3, !p3;
	_ =	strace @p5 $0x8000004C  }
0x46: {  	s23 =	sand.u32 @p4 $0x1, s17;
	s28 =	sadd.s32 @p4 s5, s19;
	s26 =	rddreg [dreg:$0x3]  }
.LBB2_2:
0x47: {  	s29 =	sshrl.u32 @p5 s21, $0x3  }
0x48: {  	s30 =	simm.s32 @p5 $0x1900;
	s31 =	simm.s32 @p5 $0x1C00;
	s26 =	sadd.s32 @p5 s26, s29  }
0x49: {  	[hbm4b:s26+s30] =	stream.strided.scatter @p5 [tilespmem:s15], [sflag:s25], $0xC800, s31, s30, $0x200038;
	[tilespmem:$0x19800] =	vst v63  }
0x4a: {  	_ =	strace @p5 $0x9000004C  }
0x4b: {  	_ =	strace @!p1 $0x8000004D  }
0x4c: {  	_ =	swait.ge @!p1 [sflag:s24], $0xC800  }
0x4d: {  	s28 =	sshll.u32 @p4 s28, $0x7;
	[sflag:s24] =	ssyncset.done @!p1 $0x0  }
0x4e: {  	s20 =	sadd.s32 s22, s20;
	s28 =	sand.u32 @p4 $0x1FFFFF80, s28;
	[sflag:s24] =	ssyncadd.s32 @!p1 $0xFFFF3800  }
0x4f: {  	s28 =	sadd.s32 @p4 s4, s28;
	s26 =	simm.s32 @p4 $0x0;
	_ =	strace @!p1 $0x9000004D  }
0x50: {  	s24 =	sshll.u32 @p4 s23, $0xA;
	s23 =	sor.u32 @p4 $0x2, s23;
	_ =	strace @p4 $0x80000049  }
0x51: {  	[tilespmem:s24], [sflag:s23] =	stream.linear.gather @p4 [hbm4b:s28+s26], $0x400, $0x200038;
	[tilespmem:$0x19800] =	vst v63  }
0x52: {  	s30 =	sand.u32 $0x1, s20;
	_ =	strace @p4 $0x90000049  }
0x53: {  	s18 =	sadd.s32 s22, s18;
	s15 =	sor.u32 $0x2, s30;
	_ =	strace $0x8000004A  }
0x54: {  	s23 =	sand.u32 $0x1, s18;
	_ =	swait.ge [sflag:s15], $0x400  }
0x55: {  	s26 =	smul.u32 $0x32000, s23;
	[sflag:s15] =	ssyncset.done $0x0  }
0x56: {  	[sflag:s15] =	ssyncadd.s32 $0xFFFFFC00  }
0x57: {  	s31 =	sshll.u32 s20, $0xA;
	s24 =	sshrl.u32 s26, $0x2;
	_ =	strace $0x9000004A  }
0x58: {  	s25 =	sand.u32 $0x400, s31;
	s15 =	sadd.s32 $0x800, s24;
	_ =	strace $0x8000004B  }
0x59: {  	[tilespmem:s15], [sflag:$0x1] =	stream.indirect.gather [hbm4b:s1+s9], $0x80, s25, s9, $0x2000b8;
	[tilespmem:$0x19800] =	vst v63  }
0x5a: {  	s28 =	sor.u32 $0x80, s25;
	s29 =	sadd.s32 $0x2100, s24  }
0x5b: {  	[tilespmem:s29], [sflag:$0x1] =	stream.indirect.gather [hbm4b:s1+s9], $0x80, s28, s9, $0x2000b8;
	[tilespmem:$0x19800] =	vst v63  }
0x5c: {  	s30 =	sadd.s32 $0x3A00, s24;
	s28 =	sor.u32 $0x100, s25  }
0x5d: {  	[tilespmem:s30], [sflag:$0x1] =	stream.indirect.gather [hbm4b:s1+s9], $0x80, s28, s9, $0x2000b8;
	[tilespmem:$0x19800] =	vst v63  }
0x5e: {  	s31 =	sadd.s32 $0x5300, s24;
	s28 =	sor.u32 $0x180, s25  }
0x5f: {  	[tilespmem:s31], [sflag:$0x1] =	stream.indirect.gather [hbm4b:s1+s9], $0x80, s28, s9, $0x2000b8;
	[tilespmem:$0x19800] =	vst v63  }
0x60: {  	s29 =	sadd.s32 $0x6C00, s24;
	s28 =	sor.u32 $0x200, s25  }
0x61: {  	[tilespmem:s29], [sflag:$0x1] =	stream.indirect.gather [hbm4b:s1+s9], $0x80, s28, s9, $0x2000b8;
	[tilespmem:$0x19800] =	vst v63  }
0x62: {  	s30 =	sadd.s32 $0x8500, s24;
	s28 =	sor.u32 $0x280, s25  }
0x63: {  	[tilespmem:s30], [sflag:$0x1] =	stream.indirect.gather [hbm4b:s1+s9], $0x80, s28, s9, $0x2000b8;
	[tilespmem:$0x19800] =	vst v63  }
0x64: {  	s31 =	sadd.s32 $0x9E00, s24;
	s28 =	sor.u32 $0x300, s25  }
0x65: {  	[tilespmem:s31], [sflag:$0x1] =	stream.indirect.gather [hbm4b:s1+s9], $0x80, s28, s9, $0x2000b8;
	[tilespmem:$0x19800] =	vst v63  }
0x66: {  	s24 =	sadd.s32 $0xB700, s24;
	s25 =	sor.u32 $0x380, s25  }
0x67: {  	[tilespmem:s24], [sflag:$0x1] =	stream.indirect.gather [hbm4b:s1+s9], $0x80, s25, s9, $0x2000b8;
	[tilespmem:$0x19800] =	vst v63  }
0x68: {  	_ =	swait.ge [sflag:s8], $0x1900  }
0x69: {  	[sflag:s8] =	ssyncset.done $0x0  }
0x6a: {  	[sflag:s8] =	ssyncadd.s32 $0xFFFFE700  }
0x6b: {  	_ =	swait.ge [sflag:s8], $0x1900  }
0x6c: {  	[sflag:s8] =	ssyncset.done $0x0  }
0x6d: {  	[sflag:s8] =	ssyncadd.s32 $0xFFFFE700  }
0x6e: {  	_ =	swait.ge [sflag:s8], $0x1900  }
0x6f: {  	[sflag:s8] =	ssyncset.done $0x0  }
0x70: {  	[sflag:s8] =	ssyncadd.s32 $0xFFFFE700  }
0x71: {  	_ =	swait.ge [sflag:s8], $0x1900  }
0x72: {  	s22 =	simm.s32 $0x1;
	[sflag:s8] =	ssyncset.done $0x0  }
0x73: {  	s21 =	smov.u32 s13;
	s13 =	smov.u32 s16;
	[sflag:s8] =	ssyncadd.s32 $0xFFFFE700  }
0x74: {  	s16 =	sadd.s32 $0xFFFFFFFF, s16;
	s22 =	simm.s32 @!p4 $0x0;
	_ =	swait.ge [sflag:s8], $0x1900  }
0x75: {  	s17 =	sadd.s32 s22, s17;
	p6 =	seq.s32 s21, $0x1;
	[sflag:s8] =	ssyncset.done $0x0  }
0x76: {  	p5 =	sne.s32 s21, $0x10;
	s21 =	simm.s32 $0x1;
	[sflag:s8] =	ssyncadd.s32 $0xFFFFE700  }
0x77: {  	s22 =	sand.u32 @!p2 $0x1, s14;
	s21 =	simm.s32 @!p5 $0x0;
	_ =	swait.ge [sflag:s8], $0x1900  }
0x78: {  	p3 =	sne.s32 s16, $0x0;
	s14 =	sadd.s32 s21, s14;
	[sflag:s8] =	ssyncset.done $0x0  }
0x79: {  	p1 =	por p2, p2;
	s26 =	sadd.s32 s5, s12;
	[sflag:s8] =	ssyncadd.s32 $0xFFFFE700  }
0x7a: {  	s12 =	smov.u32 s19;
	s19 =	sadd.s32 $0x1, s19;
	_ =	swait.ge [sflag:s8], $0x1900  }
0x7b: {  	p2 =	seq.s32 s13, $0x10;
	p5 =	seq.s32 s19, $0x10;
	[sflag:s8] =	ssyncset.done $0x0  }
0x7c: {  	s19 =	simm.s32 @p5 $0x0;
	p5 =	por p6, p0;
	[sflag:s8] =	ssyncadd.s32 $0xFFFFE700  }
0x7d: {  	p6 =	sne.s32 s13, $0x1;
	p0 =	sne.s32 s12, s19;
	_ =	swait.ge [sflag:s8], $0x1900  }
.Ltmp0:
0x7e: {  	p4 =	por !p6, !p0;
	[sflag:s8] =	ssyncset.done $0x0;
	(pc) =	sbr.rel @p3 .LBB2_2-.Ltmp0, $4  }
0x7f: {  	s21 =	smul.u32 @p5 $0xE000, s26;
	p4 =	por !p4, !p4;
	[sflag:s8] =	ssyncadd.s32 $0xFFFFE700  }
0x80: {  	s28 =	sadd.s32 @p4 s5, s19;
	s24 =	sor.u32 @!p1 $0x4, s22;
	_ =	strace $0x9000004B  }
0x81: {  	s25 =	sor.u32 @p5 $0x4, s23;
	s22 =	simm.s32 $0x1;
	_ =	strace @p5 $0x8000004C  }
0x82: {  	s23 =	sand.u32 @p4 $0x1, s17;
	s22 =	simm.s32 @!p5 $0x0;
	s26 =	rddreg [dreg:$0x3]  }
0x83: {  	s16 =	sshrl.u32 @p5 s21, $0x3  }
0x84: {  	s17 =	simm.s32 @p5 $0x1900;
	s19 =	simm.s32 @p5 $0x1C00;
	s16 =	sadd.s32 @p5 s26, s16  }
0x85: {  	[hbm4b:s16+s17] =	stream.strided.scatter @p5 [tilespmem:s15], [sflag:s25], $0xC800, s19, s17, $0x200038;
	[tilespmem:$0x19800] =	vst v63  }
0x86: {  	_ =	strace @p5 $0x9000004C  }
0x87: {  	_ =	strace @!p1 $0x8000004D  }
0x88: {  	_ =	swait.ge @!p1 [sflag:s24], $0xC800  }
0x89: {  	s15 =	sshll.u32 @p4 s28, $0x7;
	[sflag:s24] =	ssyncset.done @!p1 $0x0  }
0x8a: {  	s25 =	sadd.s32 s22, s20;
	s19 =	sshll.u32 @p4 s23, $0xA;
	[sflag:s24] =	ssyncadd.s32 @!p1 $0xFFFF3800  }
0x8b: {  	s17 =	simm.s32 @p4 $0x0;
	s15 =	sand.u32 @p4 $0x1FFFFF80, s15;
	_ =	strace @!p1 $0x9000004D  }
0x8c: {  	s20 =	sor.u32 @p4 $0x2, s23;
	s15 =	sadd.s32 @p4 s4, s15;
	_ =	strace @p4 $0x80000049  }
0x8d: {  	[tilespmem:s19], [sflag:s20] =	stream.linear.gather @p4 [hbm4b:s15+s17], $0x400, $0x200038;
	[tilespmem:$0x19800] =	vst v63  }
0x8e: {  	s26 =	sand.u32 $0x1, s25;
	_ =	strace @p4 $0x90000049  }
0x8f: {  	s28 =	sadd.s32 s22, s18;
	s29 =	sor.u32 $0x2, s26;
	_ =	strace $0x8000004A  }
0x90: {  	s15 =	sand.u32 $0x1, s28;
	_ =	swait.ge [sflag:s29], $0x400  }
0x91: {  	s17 =	smul.u32 $0x32000, s15;
	[sflag:s29] =	ssyncset.done $0x0  }
0x92: {  	[sflag:s29] =	ssyncadd.s32 $0xFFFFFC00  }
0x93: {  	s16 =	sshll.u32 s25, $0xA;
	s17 =	sshrl.u32 s17, $0x2;
	_ =	strace $0x9000004A  }
0x94: {  	s16 =	sand.u32 $0x400, s16;
	s18 =	sadd.s32 $0x800, s17;
	_ =	strace $0x8000004B  }
0x95: {  	[tilespmem:s18], [sflag:$0x1] =	stream.indirect.gather [hbm4b:s1+s9], $0x80, s16, s9, $0x2000b8;
	[tilespmem:$0x19800] =	vst v63  }
0x96: {  	s31 =	sor.u32 $0x80, s16;
	s30 =	sadd.s32 $0x2100, s17  }
0x97: {  	[tilespmem:s30], [sflag:$0x1] =	stream.indirect.gather [hbm4b:s1+s9], $0x80, s31, s9, $0x2000b8;
	[tilespmem:$0x19800] =	vst v63  }
0x98: {  	s22 =	sor.u32 $0x100, s16;
	s21 =	sadd.s32 $0x3A00, s17  }
0x99: {  	[tilespmem:s21], [sflag:$0x1] =	stream.indirect.gather [hbm4b:s1+s9], $0x80, s22, s9, $0x2000b8;
	[tilespmem:$0x19800] =	vst v63  }
0x9a: {  	s24 =	sor.u32 $0x180, s16;
	s23 =	sadd.s32 $0x5300, s17  }
0x9b: {  	[tilespmem:s23], [sflag:$0x1] =	stream.indirect.gather [hbm4b:s1+s9], $0x80, s24, s9, $0x2000b8;
	[tilespmem:$0x19800] =	vst v63  }
0x9c: {  	s26 =	sor.u32 $0x200, s16;
	s25 =	sadd.s32 $0x6C00, s17  }
0x9d: {  	[tilespmem:s25], [sflag:$0x1] =	stream.indirect.gather [hbm4b:s1+s9], $0x80, s26, s9, $0x2000b8;
	[tilespmem:$0x19800] =	vst v63  }
0x9e: {  	s28 =	sadd.s32 $0x8500, s17;
	s29 =	sor.u32 $0x280, s16  }
0x9f: {  	[tilespmem:s28], [sflag:$0x1] =	stream.indirect.gather [hbm4b:s1+s9], $0x80, s29, s9, $0x2000b8;
	[tilespmem:$0x19800] =	vst v63  }
0xa0: {  	s30 =	sadd.s32 $0x9E00, s17;
	s31 =	sor.u32 $0x300, s16  }
0xa1: {  	[tilespmem:s30], [sflag:$0x1] =	stream.indirect.gather [hbm4b:s1+s9], $0x80, s31, s9, $0x2000b8;
	[tilespmem:$0x19800] =	vst v63  }
0xa2: {  	s17 =	sadd.s32 $0xB700, s17;
	s16 =	sor.u32 $0x380, s16  }
0xa3: {  	[tilespmem:s17], [sflag:$0x1] =	stream.indirect.gather [hbm4b:s1+s9], $0x80, s16, s9, $0x2000b8;
	[tilespmem:$0x19800] =	vst v63  }
0xa4: {  	_ =	swait.ge [sflag:s8], $0x1900  }
0xa5: {  	[sflag:s8] =	ssyncset.done $0x0  }
0xa6: {  	[sflag:s8] =	ssyncadd.s32 $0xFFFFE700  }
0xa7: {  	_ =	swait.ge [sflag:s8], $0x1900  }
0xa8: {  	[sflag:s8] =	ssyncset.done $0x0  }
0xa9: {  	[sflag:s8] =	ssyncadd.s32 $0xFFFFE700  }
0xaa: {  	_ =	swait.ge [sflag:s8], $0x1900  }
0xab: {  	[sflag:s8] =	ssyncset.done $0x0  }
0xac: {  	[sflag:s8] =	ssyncadd.s32 $0xFFFFE700  }
0xad: {  	_ =	swait.ge [sflag:s8], $0x1900  }
0xae: {  	[sflag:s8] =	ssyncset.done $0x0  }
0xaf: {  	[sflag:s8] =	ssyncadd.s32 $0xFFFFE700  }
0xb0: {  	_ =	swait.ge [sflag:s8], $0x1900  }
0xb1: {  	[sflag:s8] =	ssyncset.done $0x0  }
0xb2: {  	[sflag:s8] =	ssyncadd.s32 $0xFFFFE700  }
0xb3: {  	_ =	swait.ge [sflag:s8], $0x1900  }
0xb4: {  	[sflag:s8] =	ssyncset.done $0x0  }
0xb5: {  	[sflag:s8] =	ssyncadd.s32 $0xFFFFE700  }
0xb6: {  	_ =	swait.ge [sflag:s8], $0x1900  }
0xb7: {  	[sflag:s8] =	ssyncset.done $0x0  }
0xb8: {  	[sflag:s8] =	ssyncadd.s32 $0xFFFFE700  }
0xb9: {  	_ =	swait.ge [sflag:s8], $0x1900  }
0xba: {  	p6 =	seq.s32 s13, $0x1;
	[sflag:s8] =	ssyncset.done $0x0  }
0xbb: {  	s12 =	sadd.s32 s5, s12;
	p0 =	por p6, p0;
	[sflag:s8] =	ssyncadd.s32 $0xFFFFE700  }
0xbc: {  	s12 =	smul.u32 @p0 $0xE000, s12;
	_ =	strace $0x9000004B  }
0xbd: {  	_ =	strace @p0 $0x8000004C  }
0xbe: {  	s12 =	sshrl.u32 @p0 s12, $0x3;
	s15 =	sor.u32 @p0 $0x4, s15;
	s13 =	rddreg [dreg:$0x3]  }
0xbf: {  	s16 =	simm.s32 @p0 $0x1900;
	s17 =	simm.s32 @p0 $0x1C00;
	s12 =	sadd.s32 @p0 s13, s12  }
0xc0: {  	[hbm4b:s12+s16] =	stream.strided.scatter @p0 [tilespmem:s18], [sflag:s15], $0xC800, s17, s16, $0x200038;
	[tilespmem:$0x19800] =	vst v63  }
0xc1: {  	p1 =	por p2, p2;
	s12 =	sand.u32 @!p2 $0x1, s14;
	_ =	strace @p0 $0x9000004C  }
0xc2: {  	s12 =	sor.u32 @!p1 $0x4, s12;
	_ =	strace @!p1 $0x8000004D  }
0xc3: {  	_ =	swait.ge @!p1 [sflag:s12], $0xC800  }
0xc4: {  	[sflag:s12] =	ssyncset.done @!p1 $0x0  }
0xc5: {  	s11 =	sadd.s32 $0x1, s11;
	[sflag:s12] =	ssyncadd.s32 @!p1 $0xFFFF3800  }
0xc6: {  	p0 =	sne.s32 s11, s7;
	_ =	strace @!p1 $0x9000004D  }
.Ltmp1:
0xc7: {  	_ =	strace $0x8000004E;
	(pc) =	sbr.rel @p0 .LBB2_1-.Ltmp1, $4  }
0xc8: {  	_ =	swait.ge [sflag:s10], $0xC800  }
0xc9: {  	[sflag:s10] =	ssyncset.done $0x0  }
0xca: {  	[sflag:s10] =	ssyncadd.s32 $0xFFFF3800  }
0xcb: {  	_ =	strace $0x9000004E  }
0xcc: {  	_ =	sfence.sel $0x180000  }
0xcd: {  	[bflag:$0x0] =	sbarrier.arrive $0xFFFF  }
0xce: {  	p0 =	sne.s32 s3, $0x0;
	_ =	strace $0x90000047  }
0xcf: {  	s0 =	sadd.s32 @!p0 $0x100000, s0;
	[bflag:$0x2] =	sbarrier.arrive $0xFFFF  }
0xd0: {  	[sflag:s0] =	ssyncadd.tile.s32 @!p0 $0x1;
	_ =	shalt  }
.Lfunc_end2:
_tile_overlayer_lowered:
.L_overlay_start_2:
0xd1: {  	(tag) =	ssettag $0x2  }
0xd2: {  	s0 =	rddreg [dreg:$0x0];
	s2 =	stileid.u32  }
0xd3: {  	s1 =	rddreg [dreg:$0x1];
	p0 =	sne.s32 s2, $0x0  }
0xd4: {  	s3 =	rddreg [dreg:$0x2];
	[bflag:$0x3] =	sbarrier.arrive $0xFFFF;
	s2 =	simm.s32 @!p0 $0x1C02  }
0xd5: {  	[timem:s3], [sflag:s2] =	dma.local @!p0 [hbm:s0], s1  }
0xd6: {  	s0 =	simm.s32 @!p0 $0x2  }
0xd7: {  	_ =	swait.ge @!p0 [sflag:s0], s1  }
0xd8: {  	s1 =	ssub.s32 @!p0 $0x0, s1;
	[sflag:s0] =	ssyncset.done @!p0 $0x0  }
0xd9: {  	[sflag:s0] =	ssyncadd.s32 @!p0 s1  }
0xda: {  	[bflag:$0x3] =	sbarrier.arrive $0xFFFF  }
0xdb: {  	_ =	shalt  }

</sc_bundles>
